<compile_context>
chip_gen: v7x
topology: tpu7x:2x2x1
jax: 0.10.2.dev20260603
libtpu: 0.0.44.dev20260713+nightly
codegen_flags: <defaults>
</compile_context>

<pallas_src>
import functools

import jax
import jax.numpy as jnp
from jax import lax
from jax.experimental import pallas as pl
from jax.experimental.pallas import tpu as pltpu
from jax.experimental.pallas import tpu_sc as plsc

VOCAB = 1000000
D = 64
B = 16384
NPOS = 4
NNEG = 20
NCTX = NPOS + NNEG

NC = 2
NS = 16
L = 16
NW = NC * NS
BPW = B // NW
CHUNK = 16
NCHUNKS = BPW // CHUNK


def _sc_scores(input_labels, pos_flat, neg_flat, table):
    mesh = plsc.VectorSubcoreMesh(core_axis_name="c", subcore_axis_name="s")

    @functools.partial(
        pl.kernel,
        out_type=jax.ShapeDtypeStruct((NCTX, B), jnp.float32),
        mesh=mesh,
        scratch_types=[
            pltpu.VMEM((BPW,), jnp.int32),
            pltpu.VMEM((BPW * NPOS,), jnp.int32),
            pltpu.VMEM((BPW * NNEG,), jnp.int32),
            pltpu.VMEM((2, CHUNK, D), jnp.float32),
            pltpu.VMEM((2, CHUNK * NPOS, D), jnp.float32),
            pltpu.VMEM((2, CHUNK * NNEG, D), jnp.float32),
            pltpu.VMEM((NCTX, BPW), jnp.float32),
            pltpu.SemaphoreType.DMA,
            pltpu.SemaphoreType.DMA,
        ],
        compiler_params=pltpu.CompilerParams(
            use_tc_tiling_on_sc=False, needs_layout_passes=False),
    )
    def sc(in_hbm, pos_hbm, neg_hbm, table_hbm, out_hbm,
           iidx, pidx, nidx, irows, prows, nrows, sloc, sem0, sem1):
        wid = lax.axis_index("s") * NC + lax.axis_index("c")
        base = wid * BPW

        pltpu.sync_copy(in_hbm.at[pl.ds(base, BPW)], iidx)
        pltpu.sync_copy(pos_hbm.at[pl.ds(base * NPOS, BPW * NPOS)], pidx)
        pltpu.sync_copy(neg_hbm.at[pl.ds(base * NNEG, BPW * NNEG)], nidx)

        sems = (sem0, sem1)

        def copies(slot, g):
            sem = sems[slot]
            return (
                pltpu.make_async_copy(
                    table_hbm.at[iidx.at[pl.ds(g * CHUNK, CHUNK)]],
                    irows.at[slot], sem),
                pltpu.make_async_copy(
                    table_hbm.at[pidx.at[pl.ds(g * CHUNK * NPOS,
                                               CHUNK * NPOS)]],
                    prows.at[slot], sem),
                pltpu.make_async_copy(
                    table_hbm.at[nidx.at[pl.ds(g * CHUNK * NNEG,
                                               CHUNK * NNEG)]],
                    nrows.at[slot], sem),
            )

        def gather_start(slot, g):
            for c in copies(slot, g):
                c.start()

        def gather_wait(slot, g):
            for c in copies(slot, g):
                c.wait()

        lanes = lax.iota(jnp.int32, L)
        rin = lanes
        GRP = 8

        def compute(slot, g):
            ir = irows.at[slot]
            pr = prows.at[slot]
            nr = nrows.at[slot]
            specs = ([(pr, lanes * NPOS + p, 1.0) for p in range(NPOS)]
                     + [(nr, lanes * NNEG + n, -1.0) for n in range(NNEG)])
            off = g * CHUNK

            for g0 in range(0, NCTX, GRP):
                grp = specs[g0:g0 + GRP]

                def d_body(d, accs, grp=grp):
                    dcol = jnp.full((L,), d, dtype=jnp.int32)
                    ind = plsc.load_gather(ir, [rin, dcol])
                    return tuple(
                        acc + ind * plsc.load_gather(ref, [row, dcol])
                        for acc, (ref, row, _) in zip(accs, grp))

                accs = tuple(jnp.zeros((L,), jnp.float32) for _ in grp)
                accs = lax.fori_loop(0, D, d_body, accs)
                for c, (acc, (_, _, sign)) in enumerate(zip(accs, grp),
                                                        start=g0):
                    sloc[c, pl.ds(off, L)] = acc if sign > 0 else -acc

        gather_start(0, 0)

        def pair_body(i, carry):
            g0 = 2 * i
            gather_start(1, g0 + 1)
            gather_wait(0, g0)
            compute(0, g0)

            @pl.when(g0 + 2 < NCHUNKS)
            def _():
                gather_start(0, g0 + 2)

            gather_wait(1, g0 + 1)
            compute(1, g0 + 1)
            return carry

        lax.fori_loop(0, NCHUNKS // 2, pair_body, 0)
        pltpu.sync_copy(sloc, out_hbm.at[:, pl.ds(base, BPW)])

    return sc(input_labels, pos_flat, neg_flat, table)


def _tc_loss(scores):
    BLK = 2048

    def body(s_ref, o_ref):
        x = s_ref[...]
        ls = jnp.minimum(x, 0.0) - jnp.log1p(jnp.exp(-jnp.abs(x)))
        o_ref[...] = -jnp.sum(ls, axis=0)

    return pl.pallas_call(
        body,
        grid=(B // BLK,),
        in_specs=[pl.BlockSpec((NCTX, BLK), lambda i: (0, i))],
        out_specs=pl.BlockSpec((BLK,), lambda i: (i,)),
        out_shape=jax.ShapeDtypeStruct((B,), jnp.float32),
    )(scores)


def kernel(input_labels, pos_labels, neg_labels, in_embed_weight):
    input_labels = input_labels.astype(jnp.int32)
    pos_flat = pos_labels.astype(jnp.int32).reshape(-1)
    neg_flat = neg_labels.astype(jnp.int32).reshape(-1)
    scores = _sc_scores(input_labels, pos_flat, neg_flat, in_embed_weight)
    return _tc_loss(scores)

# --- scband reference (transcript-rebuilt; emitter-appended) ---
"""Pipeline reference for scband-skip-gram-model-30717606101030 (READ-ONLY COPY).

The authoritative reference and input builder live on the scoring server;
editing this copy changes nothing except your own understanding.
"""

import jax, jax.numpy as jnp
import numpy as np

VOCAB = 1000000
EMBED = 64
BATCH = 16384
N_POS = 4
N_NEG = 20


def setup_inputs(seed: int = 0) -> dict:
    key = jax.random.key(seed)
    k1, k2, k3, k4 = jax.random.split(key, 4)
    input_labels = jax.random.randint(k1, (BATCH,), 0, VOCAB, dtype=jnp.int64 if jax.config.jax_enable_x64 else jnp.int32)
    pos_labels = jax.random.randint(k2, (BATCH, N_POS), 0, VOCAB, dtype=jnp.int64 if jax.config.jax_enable_x64 else jnp.int32)
    neg_labels = jax.random.randint(k3, (BATCH, N_NEG), 0, VOCAB, dtype=jnp.int64 if jax.config.jax_enable_x64 else jnp.int32)
    initrange = 0.5 / EMBED
    in_embed_weight = jax.random.uniform(k4, (VOCAB, EMBED), dtype=jnp.float32, minval=-initrange, maxval=initrange)
    return {
        "input_labels": input_labels,
        "pos_labels": pos_labels,
        "neg_labels": neg_labels,
        "in_embed_weight": in_embed_weight,
    }


def reference(input_labels, pos_labels, neg_labels, in_embed_weight):
    # Embedding lookups (gather -> SparseCore friendly)
    input_embedding = jnp.take(in_embed_weight, input_labels, axis=0)      # [B, D]
    pos_embedding = jnp.take(in_embed_weight, pos_labels, axis=0)          # [B, P, D]
    neg_embedding = jnp.take(in_embed_weight, neg_labels, axis=0)          # [B, N, D]
    # bmm(pos_embedding, input_embedding.unsqueeze(2)).squeeze() -> [B, P]
    log_pos = jnp.einsum('bpd,bd->bp', pos_embedding, input_embedding)
    # bmm(neg_embedding, -input_embedding.unsqueeze(2)).squeeze() -> [B, N]
    log_neg = jnp.einsum('bnd,bd->bn', neg_embedding, -input_embedding)
    log_pos = jax.nn.log_sigmoid(log_pos).sum(axis=1)                      # [B]
    log_neg = jax.nn.log_sigmoid(log_neg).sum(axis=1)                      # [B]
    loss = log_pos + log_neg
    return -loss

if __name__ == "__main__":
    import jax
    _d = setup_inputs()
    print(jax.jit(kernel)(*tuple(_d.values())))

</pallas_src>

<mosaic_0001>
#map = affine_map<(d0, d1) -> (0)>
#map1 = affine_map<(d0, d1) -> (0, 0)>
module attributes {stable_mosaic.version = 14 : i64} {
  func.func @sc(%arg0: i32, %arg1: i32, %arg2: memref<16384xi32, #tpu.memory_space<hbm>>, %arg3: memref<65536xi32, #tpu.memory_space<hbm>>, %arg4: memref<327680xi32, #tpu.memory_space<hbm>>, %arg5: memref<1000000x64xf32, #tpu.memory_space<hbm>>, %arg6: memref<24x16384xf32, #tpu.memory_space<hbm>>, %arg7: memref<512xi32, #tpu.memory_space<vmem>>, %arg8: memref<2048xi32, #tpu.memory_space<vmem>>, %arg9: memref<10240xi32, #tpu.memory_space<vmem>>, %arg10: memref<2x16x64xf32, #tpu.memory_space<vmem>>, %arg11: memref<2x64x64xf32, #tpu.memory_space<vmem>>, %arg12: memref<2x320x64xf32, #tpu.memory_space<vmem>>, %arg13: memref<24x512xf32, #tpu.memory_space<vmem>>, %arg14: memref<!tpu.dma_semaphore, #tpu.memory_space<semaphore_mem>>, %arg15: memref<!tpu.dma_semaphore, #tpu.memory_space<semaphore_mem>>) attributes {dimension_semantics = [#tpu.dimension_semantics<core_parallel>, #tpu.dimension_semantics<subcore_parallel>], iteration_bounds = array<i64: 2, 16>, scalar_prefetch = 0 : i64, scratch_operands = 9 : i64, tpu.core_type = #tpu.core_type<sc_vector_subcore>, window_params = [{transform_indices = #map}, {transform_indices = #map}, {transform_indices = #map}, {transform_indices = #map1}, {transform_indices = #map1}]} {
    %mul3A = arith.constant 2 : i32
    %mul3A_0 = arith.muli %arg1, %mul3A : i32
    %add3A = arith.addi %mul3A_0, %arg0 : i32
    %mul3A_1 = arith.constant 512 : i32
    %mul3A_2 = arith.muli %add3A, %mul3A_1 : i32
    "tpu.region"() ({
      %run_scoped3A = tpu.sem_alloc : memref<!tpu.dma_semaphore, #tpu.memory_space<semaphore_mem>>
      %dma_start3A_41 = tpu.memref_slice %arg2[%mul3A_2] : memref<16384xi32, #tpu.memory_space<hbm>> -> memref<512xi32, #tpu.memory_space<hbm>>
      %dma_start3A_42 = tpu.memref_slice %arg2[%mul3A_2] : memref<16384xi32, #tpu.memory_space<hbm>> -> memref<512xi32, #tpu.memory_space<hbm>>
      tpu.enqueue_dma source(%dma_start3A_42 : memref<512xi32, #tpu.memory_space<hbm>>) target(%arg7 : memref<512xi32, #tpu.memory_space<vmem>>) target_semaphore(%run_scoped3A : memref<!tpu.dma_semaphore, #tpu.memory_space<semaphore_mem>>)
      %dma_wait3A = tpu.memref_slice %arg2[%mul3A_2] : memref<16384xi32, #tpu.memory_space<hbm>> -> memref<512xi32, #tpu.memory_space<hbm>>
      %dma_wait3A_43 = tpu.memref_slice %arg2[%mul3A_2] : memref<16384xi32, #tpu.memory_space<hbm>> -> memref<512xi32, #tpu.memory_space<hbm>>
      tpu.wait_dma2 semaphore(%run_scoped3A : memref<!tpu.dma_semaphore, #tpu.memory_space<semaphore_mem>>) src(%dma_wait3A_43 : memref<512xi32, #tpu.memory_space<hbm>>) dst(%arg7 : memref<512xi32, #tpu.memory_space<vmem>>)
      tpu.yield
    }) : () -> ()
    %mul3A_3 = arith.constant 4 : i32
    %mul3A_4 = arith.muli %mul3A_2, %mul3A_3 : i32
    "tpu.region"() ({
      %run_scoped3A = tpu.sem_alloc : memref<!tpu.dma_semaphore, #tpu.memory_space<semaphore_mem>>
      %dma_start3A_41 = tpu.memref_slice %arg3[%mul3A_4] : memref<65536xi32, #tpu.memory_space<hbm>> -> memref<2048xi32, #tpu.memory_space<hbm>>
      %dma_start3A_42 = tpu.memref_slice %arg3[%mul3A_4] : memref<65536xi32, #tpu.memory_space<hbm>> -> memref<2048xi32, #tpu.memory_space<hbm>>
      tpu.enqueue_dma source(%dma_start3A_42 : memref<2048xi32, #tpu.memory_space<hbm>>) target(%arg8 : memref<2048xi32, #tpu.memory_space<vmem>>) target_semaphore(%run_scoped3A : memref<!tpu.dma_semaphore, #tpu.memory_space<semaphore_mem>>)
      %dma_wait3A = tpu.memref_slice %arg3[%mul3A_4] : memref<65536xi32, #tpu.memory_space<hbm>> -> memref<2048xi32, #tpu.memory_space<hbm>>
      %dma_wait3A_43 = tpu.memref_slice %arg3[%mul3A_4] : memref<65536xi32, #tpu.memory_space<hbm>> -> memref<2048xi32, #tpu.memory_space<hbm>>
      tpu.wait_dma2 semaphore(%run_scoped3A : memref<!tpu.dma_semaphore, #tpu.memory_space<semaphore_mem>>) src(%dma_wait3A_43 : memref<2048xi32, #tpu.memory_space<hbm>>) dst(%arg8 : memref<2048xi32, #tpu.memory_space<vmem>>)
      tpu.yield
    }) : () -> ()
    %mul3A_5 = arith.constant 20 : i32
    %mul3A_6 = arith.muli %mul3A_2, %mul3A_5 : i32
    "tpu.region"() ({
      %run_scoped3A = tpu.sem_alloc : memref<!tpu.dma_semaphore, #tpu.memory_space<semaphore_mem>>
      %dma_start3A_41 = tpu.memref_slice %arg4[%mul3A_6] : memref<327680xi32, #tpu.memory_space<hbm>> -> memref<10240xi32, #tpu.memory_space<hbm>>
      %dma_start3A_42 = tpu.memref_slice %arg4[%mul3A_6] : memref<327680xi32, #tpu.memory_space<hbm>> -> memref<10240xi32, #tpu.memory_space<hbm>>
      tpu.enqueue_dma source(%dma_start3A_42 : memref<10240xi32, #tpu.memory_space<hbm>>) target(%arg9 : memref<10240xi32, #tpu.memory_space<vmem>>) target_semaphore(%run_scoped3A : memref<!tpu.dma_semaphore, #tpu.memory_space<semaphore_mem>>)
      %dma_wait3A = tpu.memref_slice %arg4[%mul3A_6] : memref<327680xi32, #tpu.memory_space<hbm>> -> memref<10240xi32, #tpu.memory_space<hbm>>
      %dma_wait3A_43 = tpu.memref_slice %arg4[%mul3A_6] : memref<327680xi32, #tpu.memory_space<hbm>> -> memref<10240xi32, #tpu.memory_space<hbm>>
      tpu.wait_dma2 semaphore(%run_scoped3A : memref<!tpu.dma_semaphore, #tpu.memory_space<semaphore_mem>>) src(%dma_wait3A_43 : memref<10240xi32, #tpu.memory_space<hbm>>) dst(%arg9 : memref<10240xi32, #tpu.memory_space<vmem>>)
      tpu.yield
    }) : () -> ()
    %iota3A = tpu.iota {dimensions = array<i32: 0>} : vector<16xi32>
    %dma_start3A = arith.constant 0 : i32
    %dma_start3A_7 = arith.constant 0 : i32
    %dma_start3A_8 = arith.constant 0 : i32
    %dma_start3A_9 = tpu.memref_slice %arg10[%dma_start3A, %dma_start3A_7, %dma_start3A_8] : memref<2x16x64xf32, #tpu.memory_space<vmem>> -> memref<1x16x64xf32, #tpu.memory_space<vmem>>
    %dma_start3A_10 = tpu.memref_squeeze %dma_start3A_9 : memref<1x16x64xf32, #tpu.memory_space<vmem>> -> memref<16x64xf32, #tpu.memory_space<vmem>>
    %dma_start3A_11 = arith.constant 0 : i32
    %dma_start3A_12 = tpu.memref_slice %arg7[%dma_start3A_11] : memref<512xi32, #tpu.memory_space<vmem>> -> memref<16xi32, #tpu.memory_space<vmem>>
    %dma_start3A_13 = arith.constant 0 : i32
    %dma_start3A_14 = arith.constant 0 : i32
    %dma_start3A_15 = tpu.memref_slice %arg5[%dma_start3A_13, %dma_start3A_14] : memref<1000000x64xf32, #tpu.memory_space<hbm>> -> memref<1000000x64xf32, #tpu.memory_space<hbm>>
    tpu.enqueue_indirect_dma source(%dma_start3A_15 : memref<1000000x64xf32, #tpu.memory_space<hbm>>) target(%dma_start3A_10 : memref<16x64xf32, #tpu.memory_space<vmem>>) offsets(%dma_start3A_12 : memref<16xi32, #tpu.memory_space<vmem>>) semaphore(%arg14 : memref<!tpu.dma_semaphore, #tpu.memory_space<semaphore_mem>>)
    %dma_start3A_16 = arith.constant 0 : i32
    %dma_start3A_17 = arith.constant 0 : i32
    %dma_start3A_18 = arith.constant 0 : i32
    %dma_start3A_19 = tpu.memref_slice %arg11[%dma_start3A_16, %dma_start3A_17, %dma_start3A_18] : memref<2x64x64xf32, #tpu.memory_space<vmem>> -> memref<1x64x64xf32, #tpu.memory_space<vmem>>
    %dma_start3A_20 = tpu.memref_squeeze %dma_start3A_19 : memref<1x64x64xf32, #tpu.memory_space<vmem>> -> memref<64x64xf32, #tpu.memory_space<vmem>>
    %dma_start3A_21 = arith.constant 0 : i32
    %dma_start3A_22 = tpu.memref_slice %arg8[%dma_start3A_21] : memref<2048xi32, #tpu.memory_space<vmem>> -> memref<64xi32, #tpu.memory_space<vmem>>
    %dma_start3A_23 = arith.constant 0 : i32
    %dma_start3A_24 = arith.constant 0 : i32
    %dma_start3A_25 = tpu.memref_slice %arg5[%dma_start3A_23, %dma_start3A_24] : memref<1000000x64xf32, #tpu.memory_space<hbm>> -> memref<1000000x64xf32, #tpu.memory_space<hbm>>
    tpu.enqueue_indirect_dma source(%dma_start3A_25 : memref<1000000x64xf32, #tpu.memory_space<hbm>>) target(%dma_start3A_20 : memref<64x64xf32, #tpu.memory_space<vmem>>) offsets(%dma_start3A_22 : memref<64xi32, #tpu.memory_space<vmem>>) semaphore(%arg14 : memref<!tpu.dma_semaphore, #tpu.memory_space<semaphore_mem>>)
    %dma_start3A_26 = arith.constant 0 : i32
    %dma_start3A_27 = arith.constant 0 : i32
    %dma_start3A_28 = arith.constant 0 : i32
    %dma_start3A_29 = tpu.memref_slice %arg12[%dma_start3A_26, %dma_start3A_27, %dma_start3A_28] : memref<2x320x64xf32, #tpu.memory_space<vmem>> -> memref<1x320x64xf32, #tpu.memory_space<vmem>>
    %dma_start3A_30 = tpu.memref_squeeze %dma_start3A_29 : memref<1x320x64xf32, #tpu.memory_space<vmem>> -> memref<320x64xf32, #tpu.memory_space<vmem>>
    %dma_start3A_31 = arith.constant 0 : i32
    %dma_start3A_32 = tpu.memref_slice %arg9[%dma_start3A_31] : memref<10240xi32, #tpu.memory_space<vmem>> -> memref<320xi32, #tpu.memory_space<vmem>>
    %dma_start3A_33 = arith.constant 0 : i32
    %dma_start3A_34 = arith.constant 0 : i32
    %dma_start3A_35 = tpu.memref_slice %arg5[%dma_start3A_33, %dma_start3A_34] : memref<1000000x64xf32, #tpu.memory_space<hbm>> -> memref<1000000x64xf32, #tpu.memory_space<hbm>>
    tpu.enqueue_indirect_dma source(%dma_start3A_35 : memref<1000000x64xf32, #tpu.memory_space<hbm>>) target(%dma_start3A_30 : memref<320x64xf32, #tpu.memory_space<vmem>>) offsets(%dma_start3A_32 : memref<320xi32, #tpu.memory_space<vmem>>) semaphore(%arg14 : memref<!tpu.dma_semaphore, #tpu.memory_space<semaphore_mem>>)
    %scan3A = arith.constant 0 : i32
    %scan3A_36 = arith.constant 0 : i32
    %scan3A_37 = arith.constant 16 : i32
    %scan3A_38 = arith.addi %scan3A_36, %scan3A_37 : i32
    %scan3A_39 = arith.constant 1 : i32
    scf.for %scan3A_41 = %scan3A_36 to %scan3A_38 step %scan3A_39  : i32 {
      %mul3A_42 = arith.constant 2 : i32
      %mul3A_43 = arith.muli %mul3A_42, %scan3A_41 : i32
      %add3A_44 = arith.constant 1 : i32
      %add3A_45 = arith.addi %mul3A_43, %add3A_44 : i32
      %mul3A_46 = arith.constant 16 : i32
      %mul3A_47 = arith.muli %add3A_45, %mul3A_46 : i32
      %mul3A_48 = arith.constant 16 : i32
      %mul3A_49 = arith.muli %add3A_45, %mul3A_48 : i32
      %mul3A_50 = arith.constant 4 : i32
      %mul3A_51 = arith.muli %mul3A_49, %mul3A_50 : i32
      %mul3A_52 = arith.constant 16 : i32
      %mul3A_53 = arith.muli %add3A_45, %mul3A_52 : i32
      %mul3A_54 = arith.constant 20 : i32
      %mul3A_55 = arith.muli %mul3A_53, %mul3A_54 : i32
      %dma_start3A_56 = arith.constant 1 : i32
      %dma_start3A_57 = arith.constant 0 : i32
      %dma_start3A_58 = arith.constant 0 : i32
      %dma_start3A_59 = tpu.memref_slice %arg10[%dma_start3A_56, %dma_start3A_57, %dma_start3A_58] : memref<2x16x64xf32, #tpu.memory_space<vmem>> -> memref<1x16x64xf32, #tpu.memory_space<vmem>>
      %dma_start3A_60 = tpu.memref_squeeze %dma_start3A_59 : memref<1x16x64xf32, #tpu.memory_space<vmem>> -> memref<16x64xf32, #tpu.memory_space<vmem>>
      %dma_start3A_61 = tpu.memref_slice %arg7[%mul3A_47] : memref<512xi32, #tpu.memory_space<vmem>> -> memref<16xi32, #tpu.memory_space<vmem>>
      %dma_start3A_62 = arith.constant 0 : i32
      %dma_start3A_63 = arith.constant 0 : i32
      %dma_start3A_64 = tpu.memref_slice %arg5[%dma_start3A_62, %dma_start3A_63] : memref<1000000x64xf32, #tpu.memory_space<hbm>> -> memref<1000000x64xf32, #tpu.memory_space<hbm>>
      tpu.enqueue_indirect_dma source(%dma_start3A_64 : memref<1000000x64xf32, #tpu.memory_space<hbm>>) target(%dma_start3A_60 : memref<16x64xf32, #tpu.memory_space<vmem>>) offsets(%dma_start3A_61 : memref<16xi32, #tpu.memory_space<vmem>>) semaphore(%arg15 : memref<!tpu.dma_semaphore, #tpu.memory_space<semaphore_mem>>)
      %dma_start3A_65 = arith.constant 1 : i32
      %dma_start3A_66 = arith.constant 0 : i32
      %dma_start3A_67 = arith.constant 0 : i32
      %dma_start3A_68 = tpu.memref_slice %arg11[%dma_start3A_65, %dma_start3A_66, %dma_start3A_67] : memref<2x64x64xf32, #tpu.memory_space<vmem>> -> memref<1x64x64xf32, #tpu.memory_space<vmem>>
      %dma_start3A_69 = tpu.memref_squeeze %dma_start3A_68 : memref<1x64x64xf32, #tpu.memory_space<vmem>> -> memref<64x64xf32, #tpu.memory_space<vmem>>
      %dma_start3A_70 = tpu.memref_slice %arg8[%mul3A_51] : memref<2048xi32, #tpu.memory_space<vmem>> -> memref<64xi32, #tpu.memory_space<vmem>>
      %dma_start3A_71 = arith.constant 0 : i32
      %dma_start3A_72 = arith.constant 0 : i32
      %dma_start3A_73 = tpu.memref_slice %arg5[%dma_start3A_71, %dma_start3A_72] : memref<1000000x64xf32, #tpu.memory_space<hbm>> -> memref<1000000x64xf32, #tpu.memory_space<hbm>>
      tpu.enqueue_indirect_dma source(%dma_start3A_73 : memref<1000000x64xf32, #tpu.memory_space<hbm>>) target(%dma_start3A_69 : memref<64x64xf32, #tpu.memory_space<vmem>>) offsets(%dma_start3A_70 : memref<64xi32, #tpu.memory_space<vmem>>) semaphore(%arg15 : memref<!tpu.dma_semaphore, #tpu.memory_space<semaphore_mem>>)
      %dma_start3A_74 = arith.constant 1 : i32
      %dma_start3A_75 = arith.constant 0 : i32
      %dma_start3A_76 = arith.constant 0 : i32
      %dma_start3A_77 = tpu.memref_slice %arg12[%dma_start3A_74, %dma_start3A_75, %dma_start3A_76] : memref<2x320x64xf32, #tpu.memory_space<vmem>> -> memref<1x320x64xf32, #tpu.memory_space<vmem>>
      %dma_start3A_78 = tpu.memref_squeeze %dma_start3A_77 : memref<1x320x64xf32, #tpu.memory_space<vmem>> -> memref<320x64xf32, #tpu.memory_space<vmem>>
      %dma_start3A_79 = tpu.memref_slice %arg9[%mul3A_55] : memref<10240xi32, #tpu.memory_space<vmem>> -> memref<320xi32, #tpu.memory_space<vmem>>
      %dma_start3A_80 = arith.constant 0 : i32
      %dma_start3A_81 = arith.constant 0 : i32
      %dma_start3A_82 = tpu.memref_slice %arg5[%dma_start3A_80, %dma_start3A_81] : memref<1000000x64xf32, #tpu.memory_space<hbm>> -> memref<1000000x64xf32, #tpu.memory_space<hbm>>
      tpu.enqueue_indirect_dma source(%dma_start3A_82 : memref<1000000x64xf32, #tpu.memory_space<hbm>>) target(%dma_start3A_78 : memref<320x64xf32, #tpu.memory_space<vmem>>) offsets(%dma_start3A_79 : memref<320xi32, #tpu.memory_space<vmem>>) semaphore(%arg15 : memref<!tpu.dma_semaphore, #tpu.memory_space<semaphore_mem>>)
      %mul3A_83 = arith.constant 16 : i32
      %mul3A_84 = arith.muli %mul3A_43, %mul3A_83 : i32
      %mul3A_85 = arith.constant 16 : i32
      %mul3A_86 = arith.muli %mul3A_43, %mul3A_85 : i32
      %mul3A_87 = arith.constant 4 : i32
      %mul3A_88 = arith.muli %mul3A_86, %mul3A_87 : i32
      %mul3A_89 = arith.constant 16 : i32
      %mul3A_90 = arith.muli %mul3A_43, %mul3A_89 : i32
      %mul3A_91 = arith.constant 20 : i32
      %mul3A_92 = arith.muli %mul3A_90, %mul3A_91 : i32
      %dma_wait3A = arith.constant 0 : i32
      %dma_wait3A_93 = arith.constant 0 : i32
      %dma_wait3A_94 = arith.constant 0 : i32
      %dma_wait3A_95 = tpu.memref_slice %arg10[%dma_wait3A, %dma_wait3A_93, %dma_wait3A_94] : memref<2x16x64xf32, #tpu.memory_space<vmem>> -> memref<1x16x64xf32, #tpu.memory_space<vmem>>
      %dma_wait3A_96 = tpu.memref_squeeze %dma_wait3A_95 : memref<1x16x64xf32, #tpu.memory_space<vmem>> -> memref<16x64xf32, #tpu.memory_space<vmem>>
      %dma_wait3A_97 = tpu.memref_slice %arg7[%mul3A_84] : memref<512xi32, #tpu.memory_space<vmem>> -> memref<16xi32, #tpu.memory_space<vmem>>
      %dma_wait3A_98 = arith.constant 0 : i32
      %dma_wait3A_99 = arith.constant 0 : i32
      %dma_wait3A_100 = tpu.memref_slice %arg5[%dma_wait3A_98, %dma_wait3A_99] : memref<1000000x64xf32, #tpu.memory_space<hbm>> -> memref<1000000x64xf32, #tpu.memory_space<hbm>>
      tpu.wait_indirect_dma semaphore(%arg14 : memref<!tpu.dma_semaphore, #tpu.memory_space<semaphore_mem>>) src(%dma_wait3A_100 : memref<1000000x64xf32, #tpu.memory_space<hbm>>) dst(%dma_wait3A_96 : memref<16x64xf32, #tpu.memory_space<vmem>>)
      %dma_wait3A_101 = arith.constant 0 : i32
      %dma_wait3A_102 = arith.constant 0 : i32
      %dma_wait3A_103 = arith.constant 0 : i32
      %dma_wait3A_104 = tpu.memref_slice %arg11[%dma_wait3A_101, %dma_wait3A_102, %dma_wait3A_103] : memref<2x64x64xf32, #tpu.memory_space<vmem>> -> memref<1x64x64xf32, #tpu.memory_space<vmem>>
      %dma_wait3A_105 = tpu.memref_squeeze %dma_wait3A_104 : memref<1x64x64xf32, #tpu.memory_space<vmem>> -> memref<64x64xf32, #tpu.memory_space<vmem>>
      %dma_wait3A_106 = tpu.memref_slice %arg8[%mul3A_88] : memref<2048xi32, #tpu.memory_space<vmem>> -> memref<64xi32, #tpu.memory_space<vmem>>
      %dma_wait3A_107 = arith.constant 0 : i32
      %dma_wait3A_108 = arith.constant 0 : i32
      %dma_wait3A_109 = tpu.memref_slice %arg5[%dma_wait3A_107, %dma_wait3A_108] : memref<1000000x64xf32, #tpu.memory_space<hbm>> -> memref<1000000x64xf32, #tpu.memory_space<hbm>>
      tpu.wait_indirect_dma semaphore(%arg14 : memref<!tpu.dma_semaphore, #tpu.memory_space<semaphore_mem>>) src(%dma_wait3A_109 : memref<1000000x64xf32, #tpu.memory_space<hbm>>) dst(%dma_wait3A_105 : memref<64x64xf32, #tpu.memory_space<vmem>>)
      %dma_wait3A_110 = arith.constant 0 : i32
      %dma_wait3A_111 = arith.constant 0 : i32
      %dma_wait3A_112 = arith.constant 0 : i32
      %dma_wait3A_113 = tpu.memref_slice %arg12[%dma_wait3A_110, %dma_wait3A_111, %dma_wait3A_112] : memref<2x320x64xf32, #tpu.memory_space<vmem>> -> memref<1x320x64xf32, #tpu.memory_space<vmem>>
      %dma_wait3A_114 = tpu.memref_squeeze %dma_wait3A_113 : memref<1x320x64xf32, #tpu.memory_space<vmem>> -> memref<320x64xf32, #tpu.memory_space<vmem>>
      %dma_wait3A_115 = tpu.memref_slice %arg9[%mul3A_92] : memref<10240xi32, #tpu.memory_space<vmem>> -> memref<320xi32, #tpu.memory_space<vmem>>
      %dma_wait3A_116 = arith.constant 0 : i32
      %dma_wait3A_117 = arith.constant 0 : i32
      %dma_wait3A_118 = tpu.memref_slice %arg5[%dma_wait3A_116, %dma_wait3A_117] : memref<1000000x64xf32, #tpu.memory_space<hbm>> -> memref<1000000x64xf32, #tpu.memory_space<hbm>>
      tpu.wait_indirect_dma semaphore(%arg14 : memref<!tpu.dma_semaphore, #tpu.memory_space<semaphore_mem>>) src(%dma_wait3A_118 : memref<1000000x64xf32, #tpu.memory_space<hbm>>) dst(%dma_wait3A_114 : memref<320x64xf32, #tpu.memory_space<vmem>>)
      %mul3A_119 = arith.constant 4 : i32
      %mul3A_120 = vector.broadcast %mul3A_119 : i32 to vector<16xi32>
      %mul3A_121 = arith.muli %iota3A, %mul3A_120 : vector<16xi32>
      %add3A_122 = arith.constant 0 : i32
      %add3A_123 = vector.broadcast %add3A_122 : i32 to vector<16xi32>
      %add3A_124 = arith.addi %mul3A_121, %add3A_123 : vector<16xi32>
      %mul3A_125 = arith.constant 4 : i32
      %mul3A_126 = vector.broadcast %mul3A_125 : i32 to vector<16xi32>
      %mul3A_127 = arith.muli %iota3A, %mul3A_126 : vector<16xi32>
      %add3A_128 = arith.constant 1 : i32
      %add3A_129 = vector.broadcast %add3A_128 : i32 to vector<16xi32>
      %add3A_130 = arith.addi %mul3A_127, %add3A_129 : vector<16xi32>
      %mul3A_131 = arith.constant 4 : i32
      %mul3A_132 = vector.broadcast %mul3A_131 : i32 to vector<16xi32>
      %mul3A_133 = arith.muli %iota3A, %mul3A_132 : vector<16xi32>
      %add3A_134 = arith.constant 2 : i32
      %add3A_135 = vector.broadcast %add3A_134 : i32 to vector<16xi32>
      %add3A_136 = arith.addi %mul3A_133, %add3A_135 : vector<16xi32>
      %mul3A_137 = arith.constant 4 : i32
      %mul3A_138 = vector.broadcast %mul3A_137 : i32 to vector<16xi32>
      %mul3A_139 = arith.muli %iota3A, %mul3A_138 : vector<16xi32>
      %add3A_140 = arith.constant 3 : i32
      %add3A_141 = vector.broadcast %add3A_140 : i32 to vector<16xi32>
      %add3A_142 = arith.addi %mul3A_139, %add3A_141 : vector<16xi32>
      %mul3A_143 = arith.constant 20 : i32
      %mul3A_144 = vector.broadcast %mul3A_143 : i32 to vector<16xi32>
      %mul3A_145 = arith.muli %iota3A, %mul3A_144 : vector<16xi32>
      %add3A_146 = arith.constant 0 : i32
      %add3A_147 = vector.broadcast %add3A_146 : i32 to vector<16xi32>
      %add3A_148 = arith.addi %mul3A_145, %add3A_147 : vector<16xi32>
      %mul3A_149 = arith.constant 20 : i32
      %mul3A_150 = vector.broadcast %mul3A_149 : i32 to vector<16xi32>
      %mul3A_151 = arith.muli %iota3A, %mul3A_150 : vector<16xi32>
      %add3A_152 = arith.constant 1 : i32
      %add3A_153 = vector.broadcast %add3A_152 : i32 to vector<16xi32>
      %add3A_154 = arith.addi %mul3A_151, %add3A_153 : vector<16xi32>
      %mul3A_155 = arith.constant 20 : i32
      %mul3A_156 = vector.broadcast %mul3A_155 : i32 to vector<16xi32>
      %mul3A_157 = arith.muli %iota3A, %mul3A_156 : vector<16xi32>
      %add3A_158 = arith.constant 2 : i32
      %add3A_159 = vector.broadcast %add3A_158 : i32 to vector<16xi32>
      %add3A_160 = arith.addi %mul3A_157, %add3A_159 : vector<16xi32>
      %mul3A_161 = arith.constant 20 : i32
      %mul3A_162 = vector.broadcast %mul3A_161 : i32 to vector<16xi32>
      %mul3A_163 = arith.muli %iota3A, %mul3A_162 : vector<16xi32>
      %add3A_164 = arith.constant 3 : i32
      %add3A_165 = vector.broadcast %add3A_164 : i32 to vector<16xi32>
      %add3A_166 = arith.addi %mul3A_163, %add3A_165 : vector<16xi32>
      %mul3A_167 = arith.constant 20 : i32
      %mul3A_168 = vector.broadcast %mul3A_167 : i32 to vector<16xi32>
      %mul3A_169 = arith.muli %iota3A, %mul3A_168 : vector<16xi32>
      %add3A_170 = arith.constant 4 : i32
      %add3A_171 = vector.broadcast %add3A_170 : i32 to vector<16xi32>
      %add3A_172 = arith.addi %mul3A_169, %add3A_171 : vector<16xi32>
      %mul3A_173 = arith.constant 20 : i32
      %mul3A_174 = vector.broadcast %mul3A_173 : i32 to vector<16xi32>
      %mul3A_175 = arith.muli %iota3A, %mul3A_174 : vector<16xi32>
      %add3A_176 = arith.constant 5 : i32
      %add3A_177 = vector.broadcast %add3A_176 : i32 to vector<16xi32>
      %add3A_178 = arith.addi %mul3A_175, %add3A_177 : vector<16xi32>
      %mul3A_179 = arith.constant 20 : i32
      %mul3A_180 = vector.broadcast %mul3A_179 : i32 to vector<16xi32>
      %mul3A_181 = arith.muli %iota3A, %mul3A_180 : vector<16xi32>
      %add3A_182 = arith.constant 6 : i32
      %add3A_183 = vector.broadcast %add3A_182 : i32 to vector<16xi32>
      %add3A_184 = arith.addi %mul3A_181, %add3A_183 : vector<16xi32>
      %mul3A_185 = arith.constant 20 : i32
      %mul3A_186 = vector.broadcast %mul3A_185 : i32 to vector<16xi32>
      %mul3A_187 = arith.muli %iota3A, %mul3A_186 : vector<16xi32>
      %add3A_188 = arith.constant 7 : i32
      %add3A_189 = vector.broadcast %add3A_188 : i32 to vector<16xi32>
      %add3A_190 = arith.addi %mul3A_187, %add3A_189 : vector<16xi32>
      %mul3A_191 = arith.constant 20 : i32
      %mul3A_192 = vector.broadcast %mul3A_191 : i32 to vector<16xi32>
      %mul3A_193 = arith.muli %iota3A, %mul3A_192 : vector<16xi32>
      %add3A_194 = arith.constant 8 : i32
      %add3A_195 = vector.broadcast %add3A_194 : i32 to vector<16xi32>
      %add3A_196 = arith.addi %mul3A_193, %add3A_195 : vector<16xi32>
      %mul3A_197 = arith.constant 20 : i32
      %mul3A_198 = vector.broadcast %mul3A_197 : i32 to vector<16xi32>
      %mul3A_199 = arith.muli %iota3A, %mul3A_198 : vector<16xi32>
      %add3A_200 = arith.constant 9 : i32
      %add3A_201 = vector.broadcast %add3A_200 : i32 to vector<16xi32>
      %add3A_202 = arith.addi %mul3A_199, %add3A_201 : vector<16xi32>
      %mul3A_203 = arith.constant 20 : i32
      %mul3A_204 = vector.broadcast %mul3A_203 : i32 to vector<16xi32>
      %mul3A_205 = arith.muli %iota3A, %mul3A_204 : vector<16xi32>
      %add3A_206 = arith.constant 10 : i32
      %add3A_207 = vector.broadcast %add3A_206 : i32 to vector<16xi32>
      %add3A_208 = arith.addi %mul3A_205, %add3A_207 : vector<16xi32>
      %mul3A_209 = arith.constant 20 : i32
      %mul3A_210 = vector.broadcast %mul3A_209 : i32 to vector<16xi32>
      %mul3A_211 = arith.muli %iota3A, %mul3A_210 : vector<16xi32>
      %add3A_212 = arith.constant 11 : i32
      %add3A_213 = vector.broadcast %add3A_212 : i32 to vector<16xi32>
      %add3A_214 = arith.addi %mul3A_211, %add3A_213 : vector<16xi32>
      %mul3A_215 = arith.constant 20 : i32
      %mul3A_216 = vector.broadcast %mul3A_215 : i32 to vector<16xi32>
      %mul3A_217 = arith.muli %iota3A, %mul3A_216 : vector<16xi32>
      %add3A_218 = arith.constant 12 : i32
      %add3A_219 = vector.broadcast %add3A_218 : i32 to vector<16xi32>
      %add3A_220 = arith.addi %mul3A_217, %add3A_219 : vector<16xi32>
      %mul3A_221 = arith.constant 20 : i32
      %mul3A_222 = vector.broadcast %mul3A_221 : i32 to vector<16xi32>
      %mul3A_223 = arith.muli %iota3A, %mul3A_222 : vector<16xi32>
      %add3A_224 = arith.constant 13 : i32
      %add3A_225 = vector.broadcast %add3A_224 : i32 to vector<16xi32>
      %add3A_226 = arith.addi %mul3A_223, %add3A_225 : vector<16xi32>
      %mul3A_227 = arith.constant 20 : i32
      %mul3A_228 = vector.broadcast %mul3A_227 : i32 to vector<16xi32>
      %mul3A_229 = arith.muli %iota3A, %mul3A_228 : vector<16xi32>
      %add3A_230 = arith.constant 14 : i32
      %add3A_231 = vector.broadcast %add3A_230 : i32 to vector<16xi32>
      %add3A_232 = arith.addi %mul3A_229, %add3A_231 : vector<16xi32>
      %mul3A_233 = arith.constant 20 : i32
      %mul3A_234 = vector.broadcast %mul3A_233 : i32 to vector<16xi32>
      %mul3A_235 = arith.muli %iota3A, %mul3A_234 : vector<16xi32>
      %add3A_236 = arith.constant 15 : i32
      %add3A_237 = vector.broadcast %add3A_236 : i32 to vector<16xi32>
      %add3A_238 = arith.addi %mul3A_235, %add3A_237 : vector<16xi32>
      %mul3A_239 = arith.constant 20 : i32
      %mul3A_240 = vector.broadcast %mul3A_239 : i32 to vector<16xi32>
      %mul3A_241 = arith.muli %iota3A, %mul3A_240 : vector<16xi32>
      %add3A_242 = arith.constant 16 : i32
      %add3A_243 = vector.broadcast %add3A_242 : i32 to vector<16xi32>
      %add3A_244 = arith.addi %mul3A_241, %add3A_243 : vector<16xi32>
      %mul3A_245 = arith.constant 20 : i32
      %mul3A_246 = vector.broadcast %mul3A_245 : i32 to vector<16xi32>
      %mul3A_247 = arith.muli %iota3A, %mul3A_246 : vector<16xi32>
      %add3A_248 = arith.constant 17 : i32
      %add3A_249 = vector.broadcast %add3A_248 : i32 to vector<16xi32>
      %add3A_250 = arith.addi %mul3A_247, %add3A_249 : vector<16xi32>
      %mul3A_251 = arith.constant 20 : i32
      %mul3A_252 = vector.broadcast %mul3A_251 : i32 to vector<16xi32>
      %mul3A_253 = arith.muli %iota3A, %mul3A_252 : vector<16xi32>
      %add3A_254 = arith.constant 18 : i32
      %add3A_255 = vector.broadcast %add3A_254 : i32 to vector<16xi32>
      %add3A_256 = arith.addi %mul3A_253, %add3A_255 : vector<16xi32>
      %mul3A_257 = arith.constant 20 : i32
      %mul3A_258 = vector.broadcast %mul3A_257 : i32 to vector<16xi32>
      %mul3A_259 = arith.muli %iota3A, %mul3A_258 : vector<16xi32>
      %add3A_260 = arith.constant 19 : i32
      %add3A_261 = vector.broadcast %add3A_260 : i32 to vector<16xi32>
      %add3A_262 = arith.addi %mul3A_259, %add3A_261 : vector<16xi32>
      %mul3A_263 = arith.constant 16 : i32
      %mul3A_264 = arith.muli %mul3A_43, %mul3A_263 : i32
      %broadcast_in_dim3A = arith.constant 0.000000e+00 : f32
      %broadcast_in_dim3A_265 = vector.broadcast %broadcast_in_dim3A : f32 to vector<16xf32>
      %broadcast_in_dim3A_266 = arith.constant 0.000000e+00 : f32
      %broadcast_in_dim3A_267 = vector.broadcast %broadcast_in_dim3A_266 : f32 to vector<16xf32>
      %broadcast_in_dim3A_268 = arith.constant 0.000000e+00 : f32
      %broadcast_in_dim3A_269 = vector.broadcast %broadcast_in_dim3A_268 : f32 to vector<16xf32>
      %broadcast_in_dim3A_270 = arith.constant 0.000000e+00 : f32
      %broadcast_in_dim3A_271 = vector.broadcast %broadcast_in_dim3A_270 : f32 to vector<16xf32>
      %broadcast_in_dim3A_272 = arith.constant 0.000000e+00 : f32
      %broadcast_in_dim3A_273 = vector.broadcast %broadcast_in_dim3A_272 : f32 to vector<16xf32>
      %broadcast_in_dim3A_274 = arith.constant 0.000000e+00 : f32
      %broadcast_in_dim3A_275 = vector.broadcast %broadcast_in_dim3A_274 : f32 to vector<16xf32>
      %broadcast_in_dim3A_276 = arith.constant 0.000000e+00 : f32
      %broadcast_in_dim3A_277 = vector.broadcast %broadcast_in_dim3A_276 : f32 to vector<16xf32>
      %broadcast_in_dim3A_278 = arith.constant 0.000000e+00 : f32
      %broadcast_in_dim3A_279 = vector.broadcast %broadcast_in_dim3A_278 : f32 to vector<16xf32>
      %scan3A_280 = arith.constant 0 : i32
      %scan3A_281 = arith.constant 0 : i32
      %scan3A_282 = arith.constant 0 : i32
      %scan3A_283 = arith.constant 0 : i32
      %scan3A_284 = arith.constant 64 : i32
      %scan3A_285 = arith.addi %scan3A_283, %scan3A_284 : i32
      %scan3A_286 = arith.constant 1 : i32
      %scan3A_287:8 = scf.for %scan3A_911 = %scan3A_283 to %scan3A_285 step %scan3A_286 iter_args(%scan3A_912 = %broadcast_in_dim3A_265, %scan3A_913 = %broadcast_in_dim3A_267, %scan3A_914 = %broadcast_in_dim3A_269, %scan3A_915 = %broadcast_in_dim3A_271, %scan3A_916 = %broadcast_in_dim3A_273, %scan3A_917 = %broadcast_in_dim3A_275, %scan3A_918 = %broadcast_in_dim3A_277, %scan3A_919 = %broadcast_in_dim3A_279) -> (vector<16xf32>, vector<16xf32>, vector<16xf32>, vector<16xf32>, vector<16xf32>, vector<16xf32>, vector<16xf32>, vector<16xf32>)  : i32 {
        %broadcast_in_dim3A_920 = vector.broadcast %scan3A_911 : i32 to vector<16xi32>
        %gather3A = arith.constant 0 : i32
        %gather3A_921 = arith.constant 0 : i32
        %gather3A_922 = tpu.memref_slice %arg10[%scan3A_280, %gather3A, %gather3A_921] : memref<2x16x64xf32, #tpu.memory_space<vmem>> -> memref<1x16x64xf32, #tpu.memory_space<vmem>>
        %gather3A_923 = tpu.memref_squeeze %gather3A_922 : memref<1x16x64xf32, #tpu.memory_space<vmem>> -> memref<16x64xf32, #tpu.memory_space<vmem>>
        %gather3A_924 = tpu.vector_load_idx %gather3A_923[%iota3A, %broadcast_in_dim3A_920] : memref<16x64xf32, #tpu.memory_space<vmem>>[vector<16xi32>, vector<16xi32>], vector<16xf32>,
        %gather3A_925 = arith.constant 0 : i32
        %gather3A_926 = arith.constant 0 : i32
        %gather3A_927 = tpu.memref_slice %arg11[%scan3A_281, %gather3A_925, %gather3A_926] : memref<2x64x64xf32, #tpu.memory_space<vmem>> -> memref<1x64x64xf32, #tpu.memory_space<vmem>>
        %gather3A_928 = tpu.memref_squeeze %gather3A_927 : memref<1x64x64xf32, #tpu.memory_space<vmem>> -> memref<64x64xf32, #tpu.memory_space<vmem>>
        %gather3A_929 = tpu.vector_load_idx %gather3A_928[%add3A_124, %broadcast_in_dim3A_920] : memref<64x64xf32, #tpu.memory_space<vmem>>[vector<16xi32>, vector<16xi32>], vector<16xf32>,
        %mul3A_930 = arith.mulf %gather3A_924, %gather3A_929 : vector<16xf32>
        %add3A_931 = arith.addf %scan3A_912, %mul3A_930 : vector<16xf32>
        %gather3A_932 = arith.constant 0 : i32
        %gather3A_933 = arith.constant 0 : i32
        %gather3A_934 = tpu.memref_slice %arg11[%scan3A_281, %gather3A_932, %gather3A_933] : memref<2x64x64xf32, #tpu.memory_space<vmem>> -> memref<1x64x64xf32, #tpu.memory_space<vmem>>
        %gather3A_935 = tpu.memref_squeeze %gather3A_934 : memref<1x64x64xf32, #tpu.memory_space<vmem>> -> memref<64x64xf32, #tpu.memory_space<vmem>>
        %gather3A_936 = tpu.vector_load_idx %gather3A_935[%add3A_130, %broadcast_in_dim3A_920] : memref<64x64xf32, #tpu.memory_space<vmem>>[vector<16xi32>, vector<16xi32>], vector<16xf32>,
        %mul3A_937 = arith.mulf %gather3A_924, %gather3A_936 : vector<16xf32>
        %add3A_938 = arith.addf %scan3A_913, %mul3A_937 : vector<16xf32>
        %gather3A_939 = arith.constant 0 : i32
        %gather3A_940 = arith.constant 0 : i32
        %gather3A_941 = tpu.memref_slice %arg11[%scan3A_281, %gather3A_939, %gather3A_940] : memref<2x64x64xf32, #tpu.memory_space<vmem>> -> memref<1x64x64xf32, #tpu.memory_space<vmem>>
        %gather3A_942 = tpu.memref_squeeze %gather3A_941 : memref<1x64x64xf32, #tpu.memory_space<vmem>> -> memref<64x64xf32, #tpu.memory_space<vmem>>
        %gather3A_943 = tpu.vector_load_idx %gather3A_942[%add3A_136, %broadcast_in_dim3A_920] : memref<64x64xf32, #tpu.memory_space<vmem>>[vector<16xi32>, vector<16xi32>], vector<16xf32>,
        %mul3A_944 = arith.mulf %gather3A_924, %gather3A_943 : vector<16xf32>
        %add3A_945 = arith.addf %scan3A_914, %mul3A_944 : vector<16xf32>
        %gather3A_946 = arith.constant 0 : i32
        %gather3A_947 = arith.constant 0 : i32
        %gather3A_948 = tpu.memref_slice %arg11[%scan3A_281, %gather3A_946, %gather3A_947] : memref<2x64x64xf32, #tpu.memory_space<vmem>> -> memref<1x64x64xf32, #tpu.memory_space<vmem>>
        %gather3A_949 = tpu.memref_squeeze %gather3A_948 : memref<1x64x64xf32, #tpu.memory_space<vmem>> -> memref<64x64xf32, #tpu.memory_space<vmem>>
        %gather3A_950 = tpu.vector_load_idx %gather3A_949[%add3A_142, %broadcast_in_dim3A_920] : memref<64x64xf32, #tpu.memory_space<vmem>>[vector<16xi32>, vector<16xi32>], vector<16xf32>,
        %mul3A_951 = arith.mulf %gather3A_924, %gather3A_950 : vector<16xf32>
        %add3A_952 = arith.addf %scan3A_915, %mul3A_951 : vector<16xf32>
        %gather3A_953 = arith.constant 0 : i32
        %gather3A_954 = arith.constant 0 : i32
        %gather3A_955 = tpu.memref_slice %arg12[%scan3A_282, %gather3A_953, %gather3A_954] : memref<2x320x64xf32, #tpu.memory_space<vmem>> -> memref<1x320x64xf32, #tpu.memory_space<vmem>>
        %gather3A_956 = tpu.memref_squeeze %gather3A_955 : memref<1x320x64xf32, #tpu.memory_space<vmem>> -> memref<320x64xf32, #tpu.memory_space<vmem>>
        %gather3A_957 = tpu.vector_load_idx %gather3A_956[%add3A_148, %broadcast_in_dim3A_920] : memref<320x64xf32, #tpu.memory_space<vmem>>[vector<16xi32>, vector<16xi32>], vector<16xf32>,
        %mul3A_958 = arith.mulf %gather3A_924, %gather3A_957 : vector<16xf32>
        %add3A_959 = arith.addf %scan3A_916, %mul3A_958 : vector<16xf32>
        %gather3A_960 = arith.constant 0 : i32
        %gather3A_961 = arith.constant 0 : i32
        %gather3A_962 = tpu.memref_slice %arg12[%scan3A_282, %gather3A_960, %gather3A_961] : memref<2x320x64xf32, #tpu.memory_space<vmem>> -> memref<1x320x64xf32, #tpu.memory_space<vmem>>
        %gather3A_963 = tpu.memref_squeeze %gather3A_962 : memref<1x320x64xf32, #tpu.memory_space<vmem>> -> memref<320x64xf32, #tpu.memory_space<vmem>>
        %gather3A_964 = tpu.vector_load_idx %gather3A_963[%add3A_154, %broadcast_in_dim3A_920] : memref<320x64xf32, #tpu.memory_space<vmem>>[vector<16xi32>, vector<16xi32>], vector<16xf32>,
        %mul3A_965 = arith.mulf %gather3A_924, %gather3A_964 : vector<16xf32>
        %add3A_966 = arith.addf %scan3A_917, %mul3A_965 : vector<16xf32>
        %gather3A_967 = arith.constant 0 : i32
        %gather3A_968 = arith.constant 0 : i32
        %gather3A_969 = tpu.memref_slice %arg12[%scan3A_282, %gather3A_967, %gather3A_968] : memref<2x320x64xf32, #tpu.memory_space<vmem>> -> memref<1x320x64xf32, #tpu.memory_space<vmem>>
        %gather3A_970 = tpu.memref_squeeze %gather3A_969 : memref<1x320x64xf32, #tpu.memory_space<vmem>> -> memref<320x64xf32, #tpu.memory_space<vmem>>
        %gather3A_971 = tpu.vector_load_idx %gather3A_970[%add3A_160, %broadcast_in_dim3A_920] : memref<320x64xf32, #tpu.memory_space<vmem>>[vector<16xi32>, vector<16xi32>], vector<16xf32>,
        %mul3A_972 = arith.mulf %gather3A_924, %gather3A_971 : vector<16xf32>
        %add3A_973 = arith.addf %scan3A_918, %mul3A_972 : vector<16xf32>
        %gather3A_974 = arith.constant 0 : i32
        %gather3A_975 = arith.constant 0 : i32
        %gather3A_976 = tpu.memref_slice %arg12[%scan3A_282, %gather3A_974, %gather3A_975] : memref<2x320x64xf32, #tpu.memory_space<vmem>> -> memref<1x320x64xf32, #tpu.memory_space<vmem>>
        %gather3A_977 = tpu.memref_squeeze %gather3A_976 : memref<1x320x64xf32, #tpu.memory_space<vmem>> -> memref<320x64xf32, #tpu.memory_space<vmem>>
        %gather3A_978 = tpu.vector_load_idx %gather3A_977[%add3A_166, %broadcast_in_dim3A_920] : memref<320x64xf32, #tpu.memory_space<vmem>>[vector<16xi32>, vector<16xi32>], vector<16xf32>,
        %mul3A_979 = arith.mulf %gather3A_924, %gather3A_978 : vector<16xf32>
        %add3A_980 = arith.addf %scan3A_919, %mul3A_979 : vector<16xf32>
        scf.yield %add3A_931, %add3A_938, %add3A_945, %add3A_952, %add3A_959, %add3A_966, %add3A_973, %add3A_980 : vector<16xf32>, vector<16xf32>, vector<16xf32>, vector<16xf32>, vector<16xf32>, vector<16xf32>, vector<16xf32>, vector<16xf32>
      }
      %scan3A_288 = arith.constant 64 : i32
      %swap3A = arith.constant 0 : i32
      %swap3A_289 = arith.index_cast %swap3A : i32 to index
      %swap3A_290 = arith.index_cast %mul3A_264 : i32 to index
      %swap3A_291 = tpu.vector_load %arg13[%swap3A_289, %swap3A_290] {strides = array<i32>} : memref<24x512xf32, #tpu.memory_space<vmem>>, vector<16xf32>,
      tpu.vector_store %arg13[%swap3A_289, %swap3A_290], %scan3A_287#0 {strides = array<i32>} : memref<24x512xf32, #tpu.memory_space<vmem>>, vector<16xf32>,
      %swap3A_292 = arith.constant 1 : i32
      %swap3A_293 = arith.index_cast %swap3A_292 : i32 to index
      %swap3A_294 = arith.index_cast %mul3A_264 : i32 to index
      %swap3A_295 = tpu.vector_load %arg13[%swap3A_293, %swap3A_294] {strides = array<i32>} : memref<24x512xf32, #tpu.memory_space<vmem>>, vector<16xf32>,
      tpu.vector_store %arg13[%swap3A_293, %swap3A_294], %scan3A_287#1 {strides = array<i32>} : memref<24x512xf32, #tpu.memory_space<vmem>>, vector<16xf32>,
      %swap3A_296 = arith.constant 2 : i32
      %swap3A_297 = arith.index_cast %swap3A_296 : i32 to index
      %swap3A_298 = arith.index_cast %mul3A_264 : i32 to index
      %swap3A_299 = tpu.vector_load %arg13[%swap3A_297, %swap3A_298] {strides = array<i32>} : memref<24x512xf32, #tpu.memory_space<vmem>>, vector<16xf32>,
      tpu.vector_store %arg13[%swap3A_297, %swap3A_298], %scan3A_287#2 {strides = array<i32>} : memref<24x512xf32, #tpu.memory_space<vmem>>, vector<16xf32>,
      %swap3A_300 = arith.constant 3 : i32
      %swap3A_301 = arith.index_cast %swap3A_300 : i32 to index
      %swap3A_302 = arith.index_cast %mul3A_264 : i32 to index
      %swap3A_303 = tpu.vector_load %arg13[%swap3A_301, %swap3A_302] {strides = array<i32>} : memref<24x512xf32, #tpu.memory_space<vmem>>, vector<16xf32>,
      tpu.vector_store %arg13[%swap3A_301, %swap3A_302], %scan3A_287#3 {strides = array<i32>} : memref<24x512xf32, #tpu.memory_space<vmem>>, vector<16xf32>,
      %neg3A = arith.constant 0.000000e+00 : f32
      %neg3A_304 = vector.broadcast %neg3A : f32 to vector<16xf32>
      %neg3A_305 = arith.subf %neg3A_304, %scan3A_287#4 : vector<16xf32>
      %swap3A_306 = arith.constant 4 : i32
      %swap3A_307 = arith.index_cast %swap3A_306 : i32 to index
      %swap3A_308 = arith.index_cast %mul3A_264 : i32 to index
      %swap3A_309 = tpu.vector_load %arg13[%swap3A_307, %swap3A_308] {strides = array<i32>} : memref<24x512xf32, #tpu.memory_space<vmem>>, vector<16xf32>,
      tpu.vector_store %arg13[%swap3A_307, %swap3A_308], %neg3A_305 {strides = array<i32>} : memref<24x512xf32, #tpu.memory_space<vmem>>, vector<16xf32>,
      %neg3A_310 = arith.constant 0.000000e+00 : f32
      %neg3A_311 = vector.broadcast %neg3A_310 : f32 to vector<16xf32>
      %neg3A_312 = arith.subf %neg3A_311, %scan3A_287#5 : vector<16xf32>
      %swap3A_313 = arith.constant 5 : i32
      %swap3A_314 = arith.index_cast %swap3A_313 : i32 to index
      %swap3A_315 = arith.index_cast %mul3A_264 : i32 to index
      %swap3A_316 = tpu.vector_load %arg13[%swap3A_314, %swap3A_315] {strides = array<i32>} : memref<24x512xf32, #tpu.memory_space<vmem>>, vector<16xf32>,
      tpu.vector_store %arg13[%swap3A_314, %swap3A_315], %neg3A_312 {strides = array<i32>} : memref<24x512xf32, #tpu.memory_space<vmem>>, vector<16xf32>,
      %neg3A_317 = arith.constant 0.000000e+00 : f32
      %neg3A_318 = vector.broadcast %neg3A_317 : f32 to vector<16xf32>
      %neg3A_319 = arith.subf %neg3A_318, %scan3A_287#6 : vector<16xf32>
      %swap3A_320 = arith.constant 6 : i32
      %swap3A_321 = arith.index_cast %swap3A_320 : i32 to index
      %swap3A_322 = arith.index_cast %mul3A_264 : i32 to index
      %swap3A_323 = tpu.vector_load %arg13[%swap3A_321, %swap3A_322] {strides = array<i32>} : memref<24x512xf32, #tpu.memory_space<vmem>>, vector<16xf32>,
      tpu.vector_store %arg13[%swap3A_321, %swap3A_322], %neg3A_319 {strides = array<i32>} : memref<24x512xf32, #tpu.memory_space<vmem>>, vector<16xf32>,
      %neg3A_324 = arith.constant 0.000000e+00 : f32
      %neg3A_325 = vector.broadcast %neg3A_324 : f32 to vector<16xf32>
      %neg3A_326 = arith.subf %neg3A_325, %scan3A_287#7 : vector<16xf32>
      %swap3A_327 = arith.constant 7 : i32
      %swap3A_328 = arith.index_cast %swap3A_327 : i32 to index
      %swap3A_329 = arith.index_cast %mul3A_264 : i32 to index
      %swap3A_330 = tpu.vector_load %arg13[%swap3A_328, %swap3A_329] {strides = array<i32>} : memref<24x512xf32, #tpu.memory_space<vmem>>, vector<16xf32>,
      tpu.vector_store %arg13[%swap3A_328, %swap3A_329], %neg3A_326 {strides = array<i32>} : memref<24x512xf32, #tpu.memory_space<vmem>>, vector<16xf32>,
      %broadcast_in_dim3A_331 = arith.constant 0.000000e+00 : f32
      %broadcast_in_dim3A_332 = vector.broadcast %broadcast_in_dim3A_331 : f32 to vector<16xf32>
      %broadcast_in_dim3A_333 = arith.constant 0.000000e+00 : f32
      %broadcast_in_dim3A_334 = vector.broadcast %broadcast_in_dim3A_333 : f32 to vector<16xf32>
      %broadcast_in_dim3A_335 = arith.constant 0.000000e+00 : f32
      %broadcast_in_dim3A_336 = vector.broadcast %broadcast_in_dim3A_335 : f32 to vector<16xf32>
      %broadcast_in_dim3A_337 = arith.constant 0.000000e+00 : f32
      %broadcast_in_dim3A_338 = vector.broadcast %broadcast_in_dim3A_337 : f32 to vector<16xf32>
      %broadcast_in_dim3A_339 = arith.constant 0.000000e+00 : f32
      %broadcast_in_dim3A_340 = vector.broadcast %broadcast_in_dim3A_339 : f32 to vector<16xf32>
      %broadcast_in_dim3A_341 = arith.constant 0.000000e+00 : f32
      %broadcast_in_dim3A_342 = vector.broadcast %broadcast_in_dim3A_341 : f32 to vector<16xf32>
      %broadcast_in_dim3A_343 = arith.constant 0.000000e+00 : f32
      %broadcast_in_dim3A_344 = vector.broadcast %broadcast_in_dim3A_343 : f32 to vector<16xf32>
      %broadcast_in_dim3A_345 = arith.constant 0.000000e+00 : f32
      %broadcast_in_dim3A_346 = vector.broadcast %broadcast_in_dim3A_345 : f32 to vector<16xf32>
      %scan3A_347 = arith.constant 0 : i32
      %scan3A_348 = arith.constant 0 : i32
      %scan3A_349 = arith.constant 0 : i32
      %scan3A_350 = arith.constant 64 : i32
      %scan3A_351 = arith.addi %scan3A_349, %scan3A_350 : i32
      %scan3A_352 = arith.constant 1 : i32
      %scan3A_353:8 = scf.for %scan3A_911 = %scan3A_349 to %scan3A_351 step %scan3A_352 iter_args(%scan3A_912 = %broadcast_in_dim3A_332, %scan3A_913 = %broadcast_in_dim3A_334, %scan3A_914 = %broadcast_in_dim3A_336, %scan3A_915 = %broadcast_in_dim3A_338, %scan3A_916 = %broadcast_in_dim3A_340, %scan3A_917 = %broadcast_in_dim3A_342, %scan3A_918 = %broadcast_in_dim3A_344, %scan3A_919 = %broadcast_in_dim3A_346) -> (vector<16xf32>, vector<16xf32>, vector<16xf32>, vector<16xf32>, vector<16xf32>, vector<16xf32>, vector<16xf32>, vector<16xf32>)  : i32 {
        %broadcast_in_dim3A_920 = vector.broadcast %scan3A_911 : i32 to vector<16xi32>
        %gather3A = arith.constant 0 : i32
        %gather3A_921 = arith.constant 0 : i32
        %gather3A_922 = tpu.memref_slice %arg10[%scan3A_347, %gather3A, %gather3A_921] : memref<2x16x64xf32, #tpu.memory_space<vmem>> -> memref<1x16x64xf32, #tpu.memory_space<vmem>>
        %gather3A_923 = tpu.memref_squeeze %gather3A_922 : memref<1x16x64xf32, #tpu.memory_space<vmem>> -> memref<16x64xf32, #tpu.memory_space<vmem>>
        %gather3A_924 = tpu.vector_load_idx %gather3A_923[%iota3A, %broadcast_in_dim3A_920] : memref<16x64xf32, #tpu.memory_space<vmem>>[vector<16xi32>, vector<16xi32>], vector<16xf32>,
        %gather3A_925 = arith.constant 0 : i32
        %gather3A_926 = arith.constant 0 : i32
        %gather3A_927 = tpu.memref_slice %arg12[%scan3A_348, %gather3A_925, %gather3A_926] : memref<2x320x64xf32, #tpu.memory_space<vmem>> -> memref<1x320x64xf32, #tpu.memory_space<vmem>>
        %gather3A_928 = tpu.memref_squeeze %gather3A_927 : memref<1x320x64xf32, #tpu.memory_space<vmem>> -> memref<320x64xf32, #tpu.memory_space<vmem>>
        %gather3A_929 = tpu.vector_load_idx %gather3A_928[%add3A_172, %broadcast_in_dim3A_920] : memref<320x64xf32, #tpu.memory_space<vmem>>[vector<16xi32>, vector<16xi32>], vector<16xf32>,
        %mul3A_930 = arith.mulf %gather3A_924, %gather3A_929 : vector<16xf32>
        %add3A_931 = arith.addf %scan3A_912, %mul3A_930 : vector<16xf32>
        %gather3A_932 = arith.constant 0 : i32
        %gather3A_933 = arith.constant 0 : i32
        %gather3A_934 = tpu.memref_slice %arg12[%scan3A_348, %gather3A_932, %gather3A_933] : memref<2x320x64xf32, #tpu.memory_space<vmem>> -> memref<1x320x64xf32, #tpu.memory_space<vmem>>
        %gather3A_935 = tpu.memref_squeeze %gather3A_934 : memref<1x320x64xf32, #tpu.memory_space<vmem>> -> memref<320x64xf32, #tpu.memory_space<vmem>>
        %gather3A_936 = tpu.vector_load_idx %gather3A_935[%add3A_178, %broadcast_in_dim3A_920] : memref<320x64xf32, #tpu.memory_space<vmem>>[vector<16xi32>, vector<16xi32>], vector<16xf32>,
        %mul3A_937 = arith.mulf %gather3A_924, %gather3A_936 : vector<16xf32>
        %add3A_938 = arith.addf %scan3A_913, %mul3A_937 : vector<16xf32>
        %gather3A_939 = arith.constant 0 : i32
        %gather3A_940 = arith.constant 0 : i32
        %gather3A_941 = tpu.memref_slice %arg12[%scan3A_348, %gather3A_939, %gather3A_940] : memref<2x320x64xf32, #tpu.memory_space<vmem>> -> memref<1x320x64xf32, #tpu.memory_space<vmem>>
        %gather3A_942 = tpu.memref_squeeze %gather3A_941 : memref<1x320x64xf32, #tpu.memory_space<vmem>> -> memref<320x64xf32, #tpu.memory_space<vmem>>
        %gather3A_943 = tpu.vector_load_idx %gather3A_942[%add3A_184, %broadcast_in_dim3A_920] : memref<320x64xf32, #tpu.memory_space<vmem>>[vector<16xi32>, vector<16xi32>], vector<16xf32>,
        %mul3A_944 = arith.mulf %gather3A_924, %gather3A_943 : vector<16xf32>
        %add3A_945 = arith.addf %scan3A_914, %mul3A_944 : vector<16xf32>
        %gather3A_946 = arith.constant 0 : i32
        %gather3A_947 = arith.constant 0 : i32
        %gather3A_948 = tpu.memref_slice %arg12[%scan3A_348, %gather3A_946, %gather3A_947] : memref<2x320x64xf32, #tpu.memory_space<vmem>> -> memref<1x320x64xf32, #tpu.memory_space<vmem>>
        %gather3A_949 = tpu.memref_squeeze %gather3A_948 : memref<1x320x64xf32, #tpu.memory_space<vmem>> -> memref<320x64xf32, #tpu.memory_space<vmem>>
        %gather3A_950 = tpu.vector_load_idx %gather3A_949[%add3A_190, %broadcast_in_dim3A_920] : memref<320x64xf32, #tpu.memory_space<vmem>>[vector<16xi32>, vector<16xi32>], vector<16xf32>,
        %mul3A_951 = arith.mulf %gather3A_924, %gather3A_950 : vector<16xf32>
        %add3A_952 = arith.addf %scan3A_915, %mul3A_951 : vector<16xf32>
        %gather3A_953 = arith.constant 0 : i32
        %gather3A_954 = arith.constant 0 : i32
        %gather3A_955 = tpu.memref_slice %arg12[%scan3A_348, %gather3A_953, %gather3A_954] : memref<2x320x64xf32, #tpu.memory_space<vmem>> -> memref<1x320x64xf32, #tpu.memory_space<vmem>>
        %gather3A_956 = tpu.memref_squeeze %gather3A_955 : memref<1x320x64xf32, #tpu.memory_space<vmem>> -> memref<320x64xf32, #tpu.memory_space<vmem>>
        %gather3A_957 = tpu.vector_load_idx %gather3A_956[%add3A_196, %broadcast_in_dim3A_920] : memref<320x64xf32, #tpu.memory_space<vmem>>[vector<16xi32>, vector<16xi32>], vector<16xf32>,
        %mul3A_958 = arith.mulf %gather3A_924, %gather3A_957 : vector<16xf32>
        %add3A_959 = arith.addf %scan3A_916, %mul3A_958 : vector<16xf32>
        %gather3A_960 = arith.constant 0 : i32
        %gather3A_961 = arith.constant 0 : i32
        %gather3A_962 = tpu.memref_slice %arg12[%scan3A_348, %gather3A_960, %gather3A_961] : memref<2x320x64xf32, #tpu.memory_space<vmem>> -> memref<1x320x64xf32, #tpu.memory_space<vmem>>
        %gather3A_963 = tpu.memref_squeeze %gather3A_962 : memref<1x320x64xf32, #tpu.memory_space<vmem>> -> memref<320x64xf32, #tpu.memory_space<vmem>>
        %gather3A_964 = tpu.vector_load_idx %gather3A_963[%add3A_202, %broadcast_in_dim3A_920] : memref<320x64xf32, #tpu.memory_space<vmem>>[vector<16xi32>, vector<16xi32>], vector<16xf32>,
        %mul3A_965 = arith.mulf %gather3A_924, %gather3A_964 : vector<16xf32>
        %add3A_966 = arith.addf %scan3A_917, %mul3A_965 : vector<16xf32>
        %gather3A_967 = arith.constant 0 : i32
        %gather3A_968 = arith.constant 0 : i32
        %gather3A_969 = tpu.memref_slice %arg12[%scan3A_348, %gather3A_967, %gather3A_968] : memref<2x320x64xf32, #tpu.memory_space<vmem>> -> memref<1x320x64xf32, #tpu.memory_space<vmem>>
        %gather3A_970 = tpu.memref_squeeze %gather3A_969 : memref<1x320x64xf32, #tpu.memory_space<vmem>> -> memref<320x64xf32, #tpu.memory_space<vmem>>
        %gather3A_971 = tpu.vector_load_idx %gather3A_970[%add3A_208, %broadcast_in_dim3A_920] : memref<320x64xf32, #tpu.memory_space<vmem>>[vector<16xi32>, vector<16xi32>], vector<16xf32>,
        %mul3A_972 = arith.mulf %gather3A_924, %gather3A_971 : vector<16xf32>
        %add3A_973 = arith.addf %scan3A_918, %mul3A_972 : vector<16xf32>
        %gather3A_974 = arith.constant 0 : i32
        %gather3A_975 = arith.constant 0 : i32
        %gather3A_976 = tpu.memref_slice %arg12[%scan3A_348, %gather3A_974, %gather3A_975] : memref<2x320x64xf32, #tpu.memory_space<vmem>> -> memref<1x320x64xf32, #tpu.memory_space<vmem>>
        %gather3A_977 = tpu.memref_squeeze %gather3A_976 : memref<1x320x64xf32, #tpu.memory_space<vmem>> -> memref<320x64xf32, #tpu.memory_space<vmem>>
        %gather3A_978 = tpu.vector_load_idx %gather3A_977[%add3A_214, %broadcast_in_dim3A_920] : memref<320x64xf32, #tpu.memory_space<vmem>>[vector<16xi32>, vector<16xi32>], vector<16xf32>,
        %mul3A_979 = arith.mulf %gather3A_924, %gather3A_978 : vector<16xf32>
        %add3A_980 = arith.addf %scan3A_919, %mul3A_979 : vector<16xf32>
        scf.yield %add3A_931, %add3A_938, %add3A_945, %add3A_952, %add3A_959, %add3A_966, %add3A_973, %add3A_980 : vector<16xf32>, vector<16xf32>, vector<16xf32>, vector<16xf32>, vector<16xf32>, vector<16xf32>, vector<16xf32>, vector<16xf32>
      }
      %scan3A_354 = arith.constant 64 : i32
      %neg3A_355 = arith.constant 0.000000e+00 : f32
      %neg3A_356 = vector.broadcast %neg3A_355 : f32 to vector<16xf32>
      %neg3A_357 = arith.subf %neg3A_356, %scan3A_353#0 : vector<16xf32>
      %swap3A_358 = arith.constant 8 : i32
      %swap3A_359 = arith.index_cast %swap3A_358 : i32 to index
      %swap3A_360 = arith.index_cast %mul3A_264 : i32 to index
      %swap3A_361 = tpu.vector_load %arg13[%swap3A_359, %swap3A_360] {strides = array<i32>} : memref<24x512xf32, #tpu.memory_space<vmem>>, vector<16xf32>,
      tpu.vector_store %arg13[%swap3A_359, %swap3A_360], %neg3A_357 {strides = array<i32>} : memref<24x512xf32, #tpu.memory_space<vmem>>, vector<16xf32>,
      %neg3A_362 = arith.constant 0.000000e+00 : f32
      %neg3A_363 = vector.broadcast %neg3A_362 : f32 to vector<16xf32>
      %neg3A_364 = arith.subf %neg3A_363, %scan3A_353#1 : vector<16xf32>
      %swap3A_365 = arith.constant 9 : i32
      %swap3A_366 = arith.index_cast %swap3A_365 : i32 to index
      %swap3A_367 = arith.index_cast %mul3A_264 : i32 to index
      %swap3A_368 = tpu.vector_load %arg13[%swap3A_366, %swap3A_367] {strides = array<i32>} : memref<24x512xf32, #tpu.memory_space<vmem>>, vector<16xf32>,
      tpu.vector_store %arg13[%swap3A_366, %swap3A_367], %neg3A_364 {strides = array<i32>} : memref<24x512xf32, #tpu.memory_space<vmem>>, vector<16xf32>,
      %neg3A_369 = arith.constant 0.000000e+00 : f32
      %neg3A_370 = vector.broadcast %neg3A_369 : f32 to vector<16xf32>
      %neg3A_371 = arith.subf %neg3A_370, %scan3A_353#2 : vector<16xf32>
      %swap3A_372 = arith.constant 10 : i32
      %swap3A_373 = arith.index_cast %swap3A_372 : i32 to index
      %swap3A_374 = arith.index_cast %mul3A_264 : i32 to index
      %swap3A_375 = tpu.vector_load %arg13[%swap3A_373, %swap3A_374] {strides = array<i32>} : memref<24x512xf32, #tpu.memory_space<vmem>>, vector<16xf32>,
      tpu.vector_store %arg13[%swap3A_373, %swap3A_374], %neg3A_371 {strides = array<i32>} : memref<24x512xf32, #tpu.memory_space<vmem>>, vector<16xf32>,
      %neg3A_376 = arith.constant 0.000000e+00 : f32
      %neg3A_377 = vector.broadcast %neg3A_376 : f32 to vector<16xf32>
      %neg3A_378 = arith.subf %neg3A_377, %scan3A_353#3 : vector<16xf32>
      %swap3A_379 = arith.constant 11 : i32
      %swap3A_380 = arith.index_cast %swap3A_379 : i32 to index
      %swap3A_381 = arith.index_cast %mul3A_264 : i32 to index
      %swap3A_382 = tpu.vector_load %arg13[%swap3A_380, %swap3A_381] {strides = array<i32>} : memref<24x512xf32, #tpu.memory_space<vmem>>, vector<16xf32>,
      tpu.vector_store %arg13[%swap3A_380, %swap3A_381], %neg3A_378 {strides = array<i32>} : memref<24x512xf32, #tpu.memory_space<vmem>>, vector<16xf32>,
      %neg3A_383 = arith.constant 0.000000e+00 : f32
      %neg3A_384 = vector.broadcast %neg3A_383 : f32 to vector<16xf32>
      %neg3A_385 = arith.subf %neg3A_384, %scan3A_353#4 : vector<16xf32>
      %swap3A_386 = arith.constant 12 : i32
      %swap3A_387 = arith.index_cast %swap3A_386 : i32 to index
      %swap3A_388 = arith.index_cast %mul3A_264 : i32 to index
      %swap3A_389 = tpu.vector_load %arg13[%swap3A_387, %swap3A_388] {strides = array<i32>} : memref<24x512xf32, #tpu.memory_space<vmem>>, vector<16xf32>,
      tpu.vector_store %arg13[%swap3A_387, %swap3A_388], %neg3A_385 {strides = array<i32>} : memref<24x512xf32, #tpu.memory_space<vmem>>, vector<16xf32>,
      %neg3A_390 = arith.constant 0.000000e+00 : f32
      %neg3A_391 = vector.broadcast %neg3A_390 : f32 to vector<16xf32>
      %neg3A_392 = arith.subf %neg3A_391, %scan3A_353#5 : vector<16xf32>
      %swap3A_393 = arith.constant 13 : i32
      %swap3A_394 = arith.index_cast %swap3A_393 : i32 to index
      %swap3A_395 = arith.index_cast %mul3A_264 : i32 to index
      %swap3A_396 = tpu.vector_load %arg13[%swap3A_394, %swap3A_395] {strides = array<i32>} : memref<24x512xf32, #tpu.memory_space<vmem>>, vector<16xf32>,
      tpu.vector_store %arg13[%swap3A_394, %swap3A_395], %neg3A_392 {strides = array<i32>} : memref<24x512xf32, #tpu.memory_space<vmem>>, vector<16xf32>,
      %neg3A_397 = arith.constant 0.000000e+00 : f32
      %neg3A_398 = vector.broadcast %neg3A_397 : f32 to vector<16xf32>
      %neg3A_399 = arith.subf %neg3A_398, %scan3A_353#6 : vector<16xf32>
      %swap3A_400 = arith.constant 14 : i32
      %swap3A_401 = arith.index_cast %swap3A_400 : i32 to index
      %swap3A_402 = arith.index_cast %mul3A_264 : i32 to index
      %swap3A_403 = tpu.vector_load %arg13[%swap3A_401, %swap3A_402] {strides = array<i32>} : memref<24x512xf32, #tpu.memory_space<vmem>>, vector<16xf32>,
      tpu.vector_store %arg13[%swap3A_401, %swap3A_402], %neg3A_399 {strides = array<i32>} : memref<24x512xf32, #tpu.memory_space<vmem>>, vector<16xf32>,
      %neg3A_404 = arith.constant 0.000000e+00 : f32
      %neg3A_405 = vector.broadcast %neg3A_404 : f32 to vector<16xf32>
      %neg3A_406 = arith.subf %neg3A_405, %scan3A_353#7 : vector<16xf32>
      %swap3A_407 = arith.constant 15 : i32
      %swap3A_408 = arith.index_cast %swap3A_407 : i32 to index
      %swap3A_409 = arith.index_cast %mul3A_264 : i32 to index
      %swap3A_410 = tpu.vector_load %arg13[%swap3A_408, %swap3A_409] {strides = array<i32>} : memref<24x512xf32, #tpu.memory_space<vmem>>, vector<16xf32>,
      tpu.vector_store %arg13[%swap3A_408, %swap3A_409], %neg3A_406 {strides = array<i32>} : memref<24x512xf32, #tpu.memory_space<vmem>>, vector<16xf32>,
      %broadcast_in_dim3A_411 = arith.constant 0.000000e+00 : f32
      %broadcast_in_dim3A_412 = vector.broadcast %broadcast_in_dim3A_411 : f32 to vector<16xf32>
      %broadcast_in_dim3A_413 = arith.constant 0.000000e+00 : f32
      %broadcast_in_dim3A_414 = vector.broadcast %broadcast_in_dim3A_413 : f32 to vector<16xf32>
      %broadcast_in_dim3A_415 = arith.constant 0.000000e+00 : f32
      %broadcast_in_dim3A_416 = vector.broadcast %broadcast_in_dim3A_415 : f32 to vector<16xf32>
      %broadcast_in_dim3A_417 = arith.constant 0.000000e+00 : f32
      %broadcast_in_dim3A_418 = vector.broadcast %broadcast_in_dim3A_417 : f32 to vector<16xf32>
      %broadcast_in_dim3A_419 = arith.constant 0.000000e+00 : f32
      %broadcast_in_dim3A_420 = vector.broadcast %broadcast_in_dim3A_419 : f32 to vector<16xf32>
      %broadcast_in_dim3A_421 = arith.constant 0.000000e+00 : f32
      %broadcast_in_dim3A_422 = vector.broadcast %broadcast_in_dim3A_421 : f32 to vector<16xf32>
      %broadcast_in_dim3A_423 = arith.constant 0.000000e+00 : f32
      %broadcast_in_dim3A_424 = vector.broadcast %broadcast_in_dim3A_423 : f32 to vector<16xf32>
      %broadcast_in_dim3A_425 = arith.constant 0.000000e+00 : f32
      %broadcast_in_dim3A_426 = vector.broadcast %broadcast_in_dim3A_425 : f32 to vector<16xf32>
      %scan3A_427 = arith.constant 0 : i32
      %scan3A_428 = arith.constant 0 : i32
      %scan3A_429 = arith.constant 0 : i32
      %scan3A_430 = arith.constant 64 : i32
      %scan3A_431 = arith.addi %scan3A_429, %scan3A_430 : i32
      %scan3A_432 = arith.constant 1 : i32
      %scan3A_433:8 = scf.for %scan3A_911 = %scan3A_429 to %scan3A_431 step %scan3A_432 iter_args(%scan3A_912 = %broadcast_in_dim3A_412, %scan3A_913 = %broadcast_in_dim3A_414, %scan3A_914 = %broadcast_in_dim3A_416, %scan3A_915 = %broadcast_in_dim3A_418, %scan3A_916 = %broadcast_in_dim3A_420, %scan3A_917 = %broadcast_in_dim3A_422, %scan3A_918 = %broadcast_in_dim3A_424, %scan3A_919 = %broadcast_in_dim3A_426) -> (vector<16xf32>, vector<16xf32>, vector<16xf32>, vector<16xf32>, vector<16xf32>, vector<16xf32>, vector<16xf32>, vector<16xf32>)  : i32 {
        %broadcast_in_dim3A_920 = vector.broadcast %scan3A_911 : i32 to vector<16xi32>
        %gather3A = arith.constant 0 : i32
        %gather3A_921 = arith.constant 0 : i32
        %gather3A_922 = tpu.memref_slice %arg10[%scan3A_427, %gather3A, %gather3A_921] : memref<2x16x64xf32, #tpu.memory_space<vmem>> -> memref<1x16x64xf32, #tpu.memory_space<vmem>>
        %gather3A_923 = tpu.memref_squeeze %gather3A_922 : memref<1x16x64xf32, #tpu.memory_space<vmem>> -> memref<16x64xf32, #tpu.memory_space<vmem>>
        %gather3A_924 = tpu.vector_load_idx %gather3A_923[%iota3A, %broadcast_in_dim3A_920] : memref<16x64xf32, #tpu.memory_space<vmem>>[vector<16xi32>, vector<16xi32>], vector<16xf32>,
        %gather3A_925 = arith.constant 0 : i32
        %gather3A_926 = arith.constant 0 : i32
        %gather3A_927 = tpu.memref_slice %arg12[%scan3A_428, %gather3A_925, %gather3A_926] : memref<2x320x64xf32, #tpu.memory_space<vmem>> -> memref<1x320x64xf32, #tpu.memory_space<vmem>>
        %gather3A_928 = tpu.memref_squeeze %gather3A_927 : memref<1x320x64xf32, #tpu.memory_space<vmem>> -> memref<320x64xf32, #tpu.memory_space<vmem>>
        %gather3A_929 = tpu.vector_load_idx %gather3A_928[%add3A_220, %broadcast_in_dim3A_920] : memref<320x64xf32, #tpu.memory_space<vmem>>[vector<16xi32>, vector<16xi32>], vector<16xf32>,
        %mul3A_930 = arith.mulf %gather3A_924, %gather3A_929 : vector<16xf32>
        %add3A_931 = arith.addf %scan3A_912, %mul3A_930 : vector<16xf32>
        %gather3A_932 = arith.constant 0 : i32
        %gather3A_933 = arith.constant 0 : i32
        %gather3A_934 = tpu.memref_slice %arg12[%scan3A_428, %gather3A_932, %gather3A_933] : memref<2x320x64xf32, #tpu.memory_space<vmem>> -> memref<1x320x64xf32, #tpu.memory_space<vmem>>
        %gather3A_935 = tpu.memref_squeeze %gather3A_934 : memref<1x320x64xf32, #tpu.memory_space<vmem>> -> memref<320x64xf32, #tpu.memory_space<vmem>>
        %gather3A_936 = tpu.vector_load_idx %gather3A_935[%add3A_226, %broadcast_in_dim3A_920] : memref<320x64xf32, #tpu.memory_space<vmem>>[vector<16xi32>, vector<16xi32>], vector<16xf32>,
        %mul3A_937 = arith.mulf %gather3A_924, %gather3A_936 : vector<16xf32>
        %add3A_938 = arith.addf %scan3A_913, %mul3A_937 : vector<16xf32>
        %gather3A_939 = arith.constant 0 : i32
        %gather3A_940 = arith.constant 0 : i32
        %gather3A_941 = tpu.memref_slice %arg12[%scan3A_428, %gather3A_939, %gather3A_940] : memref<2x320x64xf32, #tpu.memory_space<vmem>> -> memref<1x320x64xf32, #tpu.memory_space<vmem>>
        %gather3A_942 = tpu.memref_squeeze %gather3A_941 : memref<1x320x64xf32, #tpu.memory_space<vmem>> -> memref<320x64xf32, #tpu.memory_space<vmem>>
        %gather3A_943 = tpu.vector_load_idx %gather3A_942[%add3A_232, %broadcast_in_dim3A_920] : memref<320x64xf32, #tpu.memory_space<vmem>>[vector<16xi32>, vector<16xi32>], vector<16xf32>,
        %mul3A_944 = arith.mulf %gather3A_924, %gather3A_943 : vector<16xf32>
        %add3A_945 = arith.addf %scan3A_914, %mul3A_944 : vector<16xf32>
        %gather3A_946 = arith.constant 0 : i32
        %gather3A_947 = arith.constant 0 : i32
        %gather3A_948 = tpu.memref_slice %arg12[%scan3A_428, %gather3A_946, %gather3A_947] : memref<2x320x64xf32, #tpu.memory_space<vmem>> -> memref<1x320x64xf32, #tpu.memory_space<vmem>>
        %gather3A_949 = tpu.memref_squeeze %gather3A_948 : memref<1x320x64xf32, #tpu.memory_space<vmem>> -> memref<320x64xf32, #tpu.memory_space<vmem>>
        %gather3A_950 = tpu.vector_load_idx %gather3A_949[%add3A_238, %broadcast_in_dim3A_920] : memref<320x64xf32, #tpu.memory_space<vmem>>[vector<16xi32>, vector<16xi32>], vector<16xf32>,
        %mul3A_951 = arith.mulf %gather3A_924, %gather3A_950 : vector<16xf32>
        %add3A_952 = arith.addf %scan3A_915, %mul3A_951 : vector<16xf32>
        %gather3A_953 = arith.constant 0 : i32
        %gather3A_954 = arith.constant 0 : i32
        %gather3A_955 = tpu.memref_slice %arg12[%scan3A_428, %gather3A_953, %gather3A_954] : memref<2x320x64xf32, #tpu.memory_space<vmem>> -> memref<1x320x64xf32, #tpu.memory_space<vmem>>
        %gather3A_956 = tpu.memref_squeeze %gather3A_955 : memref<1x320x64xf32, #tpu.memory_space<vmem>> -> memref<320x64xf32, #tpu.memory_space<vmem>>
        %gather3A_957 = tpu.vector_load_idx %gather3A_956[%add3A_244, %broadcast_in_dim3A_920] : memref<320x64xf32, #tpu.memory_space<vmem>>[vector<16xi32>, vector<16xi32>], vector<16xf32>,
        %mul3A_958 = arith.mulf %gather3A_924, %gather3A_957 : vector<16xf32>
        %add3A_959 = arith.addf %scan3A_916, %mul3A_958 : vector<16xf32>
        %gather3A_960 = arith.constant 0 : i32
        %gather3A_961 = arith.constant 0 : i32
        %gather3A_962 = tpu.memref_slice %arg12[%scan3A_428, %gather3A_960, %gather3A_961] : memref<2x320x64xf32, #tpu.memory_space<vmem>> -> memref<1x320x64xf32, #tpu.memory_space<vmem>>
        %gather3A_963 = tpu.memref_squeeze %gather3A_962 : memref<1x320x64xf32, #tpu.memory_space<vmem>> -> memref<320x64xf32, #tpu.memory_space<vmem>>
        %gather3A_964 = tpu.vector_load_idx %gather3A_963[%add3A_250, %broadcast_in_dim3A_920] : memref<320x64xf32, #tpu.memory_space<vmem>>[vector<16xi32>, vector<16xi32>], vector<16xf32>,
        %mul3A_965 = arith.mulf %gather3A_924, %gather3A_964 : vector<16xf32>
        %add3A_966 = arith.addf %scan3A_917, %mul3A_965 : vector<16xf32>
        %gather3A_967 = arith.constant 0 : i32
        %gather3A_968 = arith.constant 0 : i32
        %gather3A_969 = tpu.memref_slice %arg12[%scan3A_428, %gather3A_967, %gather3A_968] : memref<2x320x64xf32, #tpu.memory_space<vmem>> -> memref<1x320x64xf32, #tpu.memory_space<vmem>>
        %gather3A_970 = tpu.memref_squeeze %gather3A_969 : memref<1x320x64xf32, #tpu.memory_space<vmem>> -> memref<320x64xf32, #tpu.memory_space<vmem>>
        %gather3A_971 = tpu.vector_load_idx %gather3A_970[%add3A_256, %broadcast_in_dim3A_920] : memref<320x64xf32, #tpu.memory_space<vmem>>[vector<16xi32>, vector<16xi32>], vector<16xf32>,
        %mul3A_972 = arith.mulf %gather3A_924, %gather3A_971 : vector<16xf32>
        %add3A_973 = arith.addf %scan3A_918, %mul3A_972 : vector<16xf32>
        %gather3A_974 = arith.constant 0 : i32
        %gather3A_975 = arith.constant 0 : i32
        %gather3A_976 = tpu.memref_slice %arg12[%scan3A_428, %gather3A_974, %gather3A_975] : memref<2x320x64xf32, #tpu.memory_space<vmem>> -> memref<1x320x64xf32, #tpu.memory_space<vmem>>
        %gather3A_977 = tpu.memref_squeeze %gather3A_976 : memref<1x320x64xf32, #tpu.memory_space<vmem>> -> memref<320x64xf32, #tpu.memory_space<vmem>>
        %gather3A_978 = tpu.vector_load_idx %gather3A_977[%add3A_262, %broadcast_in_dim3A_920] : memref<320x64xf32, #tpu.memory_space<vmem>>[vector<16xi32>, vector<16xi32>], vector<16xf32>,
        %mul3A_979 = arith.mulf %gather3A_924, %gather3A_978 : vector<16xf32>
        %add3A_980 = arith.addf %scan3A_919, %mul3A_979 : vector<16xf32>
        scf.yield %add3A_931, %add3A_938, %add3A_945, %add3A_952, %add3A_959, %add3A_966, %add3A_973, %add3A_980 : vector<16xf32>, vector<16xf32>, vector<16xf32>, vector<16xf32>, vector<16xf32>, vector<16xf32>, vector<16xf32>, vector<16xf32>
      }
      %scan3A_434 = arith.constant 64 : i32
      %neg3A_435 = arith.constant 0.000000e+00 : f32
      %neg3A_436 = vector.broadcast %neg3A_435 : f32 to vector<16xf32>
      %neg3A_437 = arith.subf %neg3A_436, %scan3A_433#0 : vector<16xf32>
      %swap3A_438 = arith.constant 16 : i32
      %swap3A_439 = arith.index_cast %swap3A_438 : i32 to index
      %swap3A_440 = arith.index_cast %mul3A_264 : i32 to index
      %swap3A_441 = tpu.vector_load %arg13[%swap3A_439, %swap3A_440] {strides = array<i32>} : memref<24x512xf32, #tpu.memory_space<vmem>>, vector<16xf32>,
      tpu.vector_store %arg13[%swap3A_439, %swap3A_440], %neg3A_437 {strides = array<i32>} : memref<24x512xf32, #tpu.memory_space<vmem>>, vector<16xf32>,
      %neg3A_442 = arith.constant 0.000000e+00 : f32
      %neg3A_443 = vector.broadcast %neg3A_442 : f32 to vector<16xf32>
      %neg3A_444 = arith.subf %neg3A_443, %scan3A_433#1 : vector<16xf32>
      %swap3A_445 = arith.constant 17 : i32
      %swap3A_446 = arith.index_cast %swap3A_445 : i32 to index
      %swap3A_447 = arith.index_cast %mul3A_264 : i32 to index
      %swap3A_448 = tpu.vector_load %arg13[%swap3A_446, %swap3A_447] {strides = array<i32>} : memref<24x512xf32, #tpu.memory_space<vmem>>, vector<16xf32>,
      tpu.vector_store %arg13[%swap3A_446, %swap3A_447], %neg3A_444 {strides = array<i32>} : memref<24x512xf32, #tpu.memory_space<vmem>>, vector<16xf32>,
      %neg3A_449 = arith.constant 0.000000e+00 : f32
      %neg3A_450 = vector.broadcast %neg3A_449 : f32 to vector<16xf32>
      %neg3A_451 = arith.subf %neg3A_450, %scan3A_433#2 : vector<16xf32>
      %swap3A_452 = arith.constant 18 : i32
      %swap3A_453 = arith.index_cast %swap3A_452 : i32 to index
      %swap3A_454 = arith.index_cast %mul3A_264 : i32 to index
      %swap3A_455 = tpu.vector_load %arg13[%swap3A_453, %swap3A_454] {strides = array<i32>} : memref<24x512xf32, #tpu.memory_space<vmem>>, vector<16xf32>,
      tpu.vector_store %arg13[%swap3A_453, %swap3A_454], %neg3A_451 {strides = array<i32>} : memref<24x512xf32, #tpu.memory_space<vmem>>, vector<16xf32>,
      %neg3A_456 = arith.constant 0.000000e+00 : f32
      %neg3A_457 = vector.broadcast %neg3A_456 : f32 to vector<16xf32>
      %neg3A_458 = arith.subf %neg3A_457, %scan3A_433#3 : vector<16xf32>
      %swap3A_459 = arith.constant 19 : i32
      %swap3A_460 = arith.index_cast %swap3A_459 : i32 to index
      %swap3A_461 = arith.index_cast %mul3A_264 : i32 to index
      %swap3A_462 = tpu.vector_load %arg13[%swap3A_460, %swap3A_461] {strides = array<i32>} : memref<24x512xf32, #tpu.memory_space<vmem>>, vector<16xf32>,
      tpu.vector_store %arg13[%swap3A_460, %swap3A_461], %neg3A_458 {strides = array<i32>} : memref<24x512xf32, #tpu.memory_space<vmem>>, vector<16xf32>,
      %neg3A_463 = arith.constant 0.000000e+00 : f32
      %neg3A_464 = vector.broadcast %neg3A_463 : f32 to vector<16xf32>
      %neg3A_465 = arith.subf %neg3A_464, %scan3A_433#4 : vector<16xf32>
      %swap3A_466 = arith.constant 20 : i32
      %swap3A_467 = arith.index_cast %swap3A_466 : i32 to index
      %swap3A_468 = arith.index_cast %mul3A_264 : i32 to index
      %swap3A_469 = tpu.vector_load %arg13[%swap3A_467, %swap3A_468] {strides = array<i32>} : memref<24x512xf32, #tpu.memory_space<vmem>>, vector<16xf32>,
      tpu.vector_store %arg13[%swap3A_467, %swap3A_468], %neg3A_465 {strides = array<i32>} : memref<24x512xf32, #tpu.memory_space<vmem>>, vector<16xf32>,
      %neg3A_470 = arith.constant 0.000000e+00 : f32
      %neg3A_471 = vector.broadcast %neg3A_470 : f32 to vector<16xf32>
      %neg3A_472 = arith.subf %neg3A_471, %scan3A_433#5 : vector<16xf32>
      %swap3A_473 = arith.constant 21 : i32
      %swap3A_474 = arith.index_cast %swap3A_473 : i32 to index
      %swap3A_475 = arith.index_cast %mul3A_264 : i32 to index
      %swap3A_476 = tpu.vector_load %arg13[%swap3A_474, %swap3A_475] {strides = array<i32>} : memref<24x512xf32, #tpu.memory_space<vmem>>, vector<16xf32>,
      tpu.vector_store %arg13[%swap3A_474, %swap3A_475], %neg3A_472 {strides = array<i32>} : memref<24x512xf32, #tpu.memory_space<vmem>>, vector<16xf32>,
      %neg3A_477 = arith.constant 0.000000e+00 : f32
      %neg3A_478 = vector.broadcast %neg3A_477 : f32 to vector<16xf32>
      %neg3A_479 = arith.subf %neg3A_478, %scan3A_433#6 : vector<16xf32>
      %swap3A_480 = arith.constant 22 : i32
      %swap3A_481 = arith.index_cast %swap3A_480 : i32 to index
      %swap3A_482 = arith.index_cast %mul3A_264 : i32 to index
      %swap3A_483 = tpu.vector_load %arg13[%swap3A_481, %swap3A_482] {strides = array<i32>} : memref<24x512xf32, #tpu.memory_space<vmem>>, vector<16xf32>,
      tpu.vector_store %arg13[%swap3A_481, %swap3A_482], %neg3A_479 {strides = array<i32>} : memref<24x512xf32, #tpu.memory_space<vmem>>, vector<16xf32>,
      %neg3A_484 = arith.constant 0.000000e+00 : f32
      %neg3A_485 = vector.broadcast %neg3A_484 : f32 to vector<16xf32>
      %neg3A_486 = arith.subf %neg3A_485, %scan3A_433#7 : vector<16xf32>
      %swap3A_487 = arith.constant 23 : i32
      %swap3A_488 = arith.index_cast %swap3A_487 : i32 to index
      %swap3A_489 = arith.index_cast %mul3A_264 : i32 to index
      %swap3A_490 = tpu.vector_load %arg13[%swap3A_488, %swap3A_489] {strides = array<i32>} : memref<24x512xf32, #tpu.memory_space<vmem>>, vector<16xf32>,
      tpu.vector_store %arg13[%swap3A_488, %swap3A_489], %neg3A_486 {strides = array<i32>} : memref<24x512xf32, #tpu.memory_space<vmem>>, vector<16xf32>,
      %add3A_491 = arith.constant 2 : i32
      %add3A_492 = arith.addi %mul3A_43, %add3A_491 : i32
      %lt3A = arith.constant 32 : i32
      %lt3A_493 = arith.cmpi slt, %add3A_492, %lt3A : i32
      %convert_element_type3A = arith.extui %lt3A_493 : i1 to i32
      %cond3A = arith.constant 0 : i32
      %cond3A_494 = arith.cmpi ne, %convert_element_type3A, %cond3A : i32
      scf.if %cond3A_494 {
        %add3A_911 = arith.constant 2 : i32
        %add3A_912 = arith.addi %mul3A_43, %add3A_911 : i32
        %mul3A_913 = arith.constant 16 : i32
        %mul3A_914 = arith.muli %add3A_912, %mul3A_913 : i32
        %mul3A_915 = arith.constant 16 : i32
        %mul3A_916 = arith.muli %add3A_912, %mul3A_915 : i32
        %mul3A_917 = arith.constant 4 : i32
        %mul3A_918 = arith.muli %mul3A_916, %mul3A_917 : i32
        %mul3A_919 = arith.constant 16 : i32
        %mul3A_920 = arith.muli %add3A_912, %mul3A_919 : i32
        %mul3A_921 = arith.constant 20 : i32
        %mul3A_922 = arith.muli %mul3A_920, %mul3A_921 : i32
        %dma_start3A_923 = arith.constant 0 : i32
        %dma_start3A_924 = arith.constant 0 : i32
        %dma_start3A_925 = arith.constant 0 : i32
        %dma_start3A_926 = tpu.memref_slice %arg10[%dma_start3A_923, %dma_start3A_924, %dma_start3A_925] : memref<2x16x64xf32, #tpu.memory_space<vmem>> -> memref<1x16x64xf32, #tpu.memory_space<vmem>>
        %dma_start3A_927 = tpu.memref_squeeze %dma_start3A_926 : memref<1x16x64xf32, #tpu.memory_space<vmem>> -> memref<16x64xf32, #tpu.memory_space<vmem>>
        %dma_start3A_928 = tpu.memref_slice %arg7[%mul3A_914] : memref<512xi32, #tpu.memory_space<vmem>> -> memref<16xi32, #tpu.memory_space<vmem>>
        %dma_start3A_929 = arith.constant 0 : i32
        %dma_start3A_930 = arith.constant 0 : i32
        %dma_start3A_931 = tpu.memref_slice %arg5[%dma_start3A_929, %dma_start3A_930] : memref<1000000x64xf32, #tpu.memory_space<hbm>> -> memref<1000000x64xf32, #tpu.memory_space<hbm>>
        tpu.enqueue_indirect_dma source(%dma_start3A_931 : memref<1000000x64xf32, #tpu.memory_space<hbm>>) target(%dma_start3A_927 : memref<16x64xf32, #tpu.memory_space<vmem>>) offsets(%dma_start3A_928 : memref<16xi32, #tpu.memory_space<vmem>>) semaphore(%arg14 : memref<!tpu.dma_semaphore, #tpu.memory_space<semaphore_mem>>)
        %dma_start3A_932 = arith.constant 0 : i32
        %dma_start3A_933 = arith.constant 0 : i32
        %dma_start3A_934 = arith.constant 0 : i32
        %dma_start3A_935 = tpu.memref_slice %arg11[%dma_start3A_932, %dma_start3A_933, %dma_start3A_934] : memref<2x64x64xf32, #tpu.memory_space<vmem>> -> memref<1x64x64xf32, #tpu.memory_space<vmem>>
        %dma_start3A_936 = tpu.memref_squeeze %dma_start3A_935 : memref<1x64x64xf32, #tpu.memory_space<vmem>> -> memref<64x64xf32, #tpu.memory_space<vmem>>
        %dma_start3A_937 = tpu.memref_slice %arg8[%mul3A_918] : memref<2048xi32, #tpu.memory_space<vmem>> -> memref<64xi32, #tpu.memory_space<vmem>>
        %dma_start3A_938 = arith.constant 0 : i32
        %dma_start3A_939 = arith.constant 0 : i32
        %dma_start3A_940 = tpu.memref_slice %arg5[%dma_start3A_938, %dma_start3A_939] : memref<1000000x64xf32, #tpu.memory_space<hbm>> -> memref<1000000x64xf32, #tpu.memory_space<hbm>>
        tpu.enqueue_indirect_dma source(%dma_start3A_940 : memref<1000000x64xf32, #tpu.memory_space<hbm>>) target(%dma_start3A_936 : memref<64x64xf32, #tpu.memory_space<vmem>>) offsets(%dma_start3A_937 : memref<64xi32, #tpu.memory_space<vmem>>) semaphore(%arg14 : memref<!tpu.dma_semaphore, #tpu.memory_space<semaphore_mem>>)
        %dma_start3A_941 = arith.constant 0 : i32
        %dma_start3A_942 = arith.constant 0 : i32
        %dma_start3A_943 = arith.constant 0 : i32
        %dma_start3A_944 = tpu.memref_slice %arg12[%dma_start3A_941, %dma_start3A_942, %dma_start3A_943] : memref<2x320x64xf32, #tpu.memory_space<vmem>> -> memref<1x320x64xf32, #tpu.memory_space<vmem>>
        %dma_start3A_945 = tpu.memref_squeeze %dma_start3A_944 : memref<1x320x64xf32, #tpu.memory_space<vmem>> -> memref<320x64xf32, #tpu.memory_space<vmem>>
        %dma_start3A_946 = tpu.memref_slice %arg9[%mul3A_922] : memref<10240xi32, #tpu.memory_space<vmem>> -> memref<320xi32, #tpu.memory_space<vmem>>
        %dma_start3A_947 = arith.constant 0 : i32
        %dma_start3A_948 = arith.constant 0 : i32
        %dma_start3A_949 = tpu.memref_slice %arg5[%dma_start3A_947, %dma_start3A_948] : memref<1000000x64xf32, #tpu.memory_space<hbm>> -> memref<1000000x64xf32, #tpu.memory_space<hbm>>
        tpu.enqueue_indirect_dma source(%dma_start3A_949 : memref<1000000x64xf32, #tpu.memory_space<hbm>>) target(%dma_start3A_945 : memref<320x64xf32, #tpu.memory_space<vmem>>) offsets(%dma_start3A_946 : memref<320xi32, #tpu.memory_space<vmem>>) semaphore(%arg14 : memref<!tpu.dma_semaphore, #tpu.memory_space<semaphore_mem>>)
      } else {
      }
      %add3A_495 = arith.constant 1 : i32
      %add3A_496 = arith.addi %mul3A_43, %add3A_495 : i32
      %mul3A_497 = arith.constant 16 : i32
      %mul3A_498 = arith.muli %add3A_496, %mul3A_497 : i32
      %mul3A_499 = arith.constant 16 : i32
      %mul3A_500 = arith.muli %add3A_496, %mul3A_499 : i32
      %mul3A_501 = arith.constant 4 : i32
      %mul3A_502 = arith.muli %mul3A_500, %mul3A_501 : i32
      %mul3A_503 = arith.constant 16 : i32
      %mul3A_504 = arith.muli %add3A_496, %mul3A_503 : i32
      %mul3A_505 = arith.constant 20 : i32
      %mul3A_506 = arith.muli %mul3A_504, %mul3A_505 : i32
      %dma_wait3A_507 = arith.constant 1 : i32
      %dma_wait3A_508 = arith.constant 0 : i32
      %dma_wait3A_509 = arith.constant 0 : i32
      %dma_wait3A_510 = tpu.memref_slice %arg10[%dma_wait3A_507, %dma_wait3A_508, %dma_wait3A_509] : memref<2x16x64xf32, #tpu.memory_space<vmem>> -> memref<1x16x64xf32, #tpu.memory_space<vmem>>
      %dma_wait3A_511 = tpu.memref_squeeze %dma_wait3A_510 : memref<1x16x64xf32, #tpu.memory_space<vmem>> -> memref<16x64xf32, #tpu.memory_space<vmem>>
      %dma_wait3A_512 = tpu.memref_slice %arg7[%mul3A_498] : memref<512xi32, #tpu.memory_space<vmem>> -> memref<16xi32, #tpu.memory_space<vmem>>
      %dma_wait3A_513 = arith.constant 0 : i32
      %dma_wait3A_514 = arith.constant 0 : i32
      %dma_wait3A_515 = tpu.memref_slice %arg5[%dma_wait3A_513, %dma_wait3A_514] : memref<1000000x64xf32, #tpu.memory_space<hbm>> -> memref<1000000x64xf32, #tpu.memory_space<hbm>>
      tpu.wait_indirect_dma semaphore(%arg15 : memref<!tpu.dma_semaphore, #tpu.memory_space<semaphore_mem>>) src(%dma_wait3A_515 : memref<1000000x64xf32, #tpu.memory_space<hbm>>) dst(%dma_wait3A_511 : memref<16x64xf32, #tpu.memory_space<vmem>>)
      %dma_wait3A_516 = arith.constant 1 : i32
      %dma_wait3A_517 = arith.constant 0 : i32
      %dma_wait3A_518 = arith.constant 0 : i32
      %dma_wait3A_519 = tpu.memref_slice %arg11[%dma_wait3A_516, %dma_wait3A_517, %dma_wait3A_518] : memref<2x64x64xf32, #tpu.memory_space<vmem>> -> memref<1x64x64xf32, #tpu.memory_space<vmem>>
      %dma_wait3A_520 = tpu.memref_squeeze %dma_wait3A_519 : memref<1x64x64xf32, #tpu.memory_space<vmem>> -> memref<64x64xf32, #tpu.memory_space<vmem>>
      %dma_wait3A_521 = tpu.memref_slice %arg8[%mul3A_502] : memref<2048xi32, #tpu.memory_space<vmem>> -> memref<64xi32, #tpu.memory_space<vmem>>
      %dma_wait3A_522 = arith.constant 0 : i32
      %dma_wait3A_523 = arith.constant 0 : i32
      %dma_wait3A_524 = tpu.memref_slice %arg5[%dma_wait3A_522, %dma_wait3A_523] : memref<1000000x64xf32, #tpu.memory_space<hbm>> -> memref<1000000x64xf32, #tpu.memory_space<hbm>>
      tpu.wait_indirect_dma semaphore(%arg15 : memref<!tpu.dma_semaphore, #tpu.memory_space<semaphore_mem>>) src(%dma_wait3A_524 : memref<1000000x64xf32, #tpu.memory_space<hbm>>) dst(%dma_wait3A_520 : memref<64x64xf32, #tpu.memory_space<vmem>>)
      %dma_wait3A_525 = arith.constant 1 : i32
      %dma_wait3A_526 = arith.constant 0 : i32
      %dma_wait3A_527 = arith.constant 0 : i32
      %dma_wait3A_528 = tpu.memref_slice %arg12[%dma_wait3A_525, %dma_wait3A_526, %dma_wait3A_527] : memref<2x320x64xf32, #tpu.memory_space<vmem>> -> memref<1x320x64xf32, #tpu.memory_space<vmem>>
      %dma_wait3A_529 = tpu.memref_squeeze %dma_wait3A_528 : memref<1x320x64xf32, #tpu.memory_space<vmem>> -> memref<320x64xf32, #tpu.memory_space<vmem>>
      %dma_wait3A_530 = tpu.memref_slice %arg9[%mul3A_506] : memref<10240xi32, #tpu.memory_space<vmem>> -> memref<320xi32, #tpu.memory_space<vmem>>
      %dma_wait3A_531 = arith.constant 0 : i32
      %dma_wait3A_532 = arith.constant 0 : i32
      %dma_wait3A_533 = tpu.memref_slice %arg5[%dma_wait3A_531, %dma_wait3A_532] : memref<1000000x64xf32, #tpu.memory_space<hbm>> -> memref<1000000x64xf32, #tpu.memory_space<hbm>>
      tpu.wait_indirect_dma semaphore(%arg15 : memref<!tpu.dma_semaphore, #tpu.memory_space<semaphore_mem>>) src(%dma_wait3A_533 : memref<1000000x64xf32, #tpu.memory_space<hbm>>) dst(%dma_wait3A_529 : memref<320x64xf32, #tpu.memory_space<vmem>>)
      %add3A_534 = arith.constant 1 : i32
      %add3A_535 = arith.addi %mul3A_43, %add3A_534 : i32
      %mul3A_536 = arith.constant 4 : i32
      %mul3A_537 = vector.broadcast %mul3A_536 : i32 to vector<16xi32>
      %mul3A_538 = arith.muli %iota3A, %mul3A_537 : vector<16xi32>
      %add3A_539 = arith.constant 0 : i32
      %add3A_540 = vector.broadcast %add3A_539 : i32 to vector<16xi32>
      %add3A_541 = arith.addi %mul3A_538, %add3A_540 : vector<16xi32>
      %mul3A_542 = arith.constant 4 : i32
      %mul3A_543 = vector.broadcast %mul3A_542 : i32 to vector<16xi32>
      %mul3A_544 = arith.muli %iota3A, %mul3A_543 : vector<16xi32>
      %add3A_545 = arith.constant 1 : i32
      %add3A_546 = vector.broadcast %add3A_545 : i32 to vector<16xi32>
      %add3A_547 = arith.addi %mul3A_544, %add3A_546 : vector<16xi32>
      %mul3A_548 = arith.constant 4 : i32
      %mul3A_549 = vector.broadcast %mul3A_548 : i32 to vector<16xi32>
      %mul3A_550 = arith.muli %iota3A, %mul3A_549 : vector<16xi32>
      %add3A_551 = arith.constant 2 : i32
      %add3A_552 = vector.broadcast %add3A_551 : i32 to vector<16xi32>
      %add3A_553 = arith.addi %mul3A_550, %add3A_552 : vector<16xi32>
      %mul3A_554 = arith.constant 4 : i32
      %mul3A_555 = vector.broadcast %mul3A_554 : i32 to vector<16xi32>
      %mul3A_556 = arith.muli %iota3A, %mul3A_555 : vector<16xi32>
      %add3A_557 = arith.constant 3 : i32
      %add3A_558 = vector.broadcast %add3A_557 : i32 to vector<16xi32>
      %add3A_559 = arith.addi %mul3A_556, %add3A_558 : vector<16xi32>
      %mul3A_560 = arith.constant 20 : i32
      %mul3A_561 = vector.broadcast %mul3A_560 : i32 to vector<16xi32>
      %mul3A_562 = arith.muli %iota3A, %mul3A_561 : vector<16xi32>
      %add3A_563 = arith.constant 0 : i32
      %add3A_564 = vector.broadcast %add3A_563 : i32 to vector<16xi32>
      %add3A_565 = arith.addi %mul3A_562, %add3A_564 : vector<16xi32>
      %mul3A_566 = arith.constant 20 : i32
      %mul3A_567 = vector.broadcast %mul3A_566 : i32 to vector<16xi32>
      %mul3A_568 = arith.muli %iota3A, %mul3A_567 : vector<16xi32>
      %add3A_569 = arith.constant 1 : i32
      %add3A_570 = vector.broadcast %add3A_569 : i32 to vector<16xi32>
      %add3A_571 = arith.addi %mul3A_568, %add3A_570 : vector<16xi32>
      %mul3A_572 = arith.constant 20 : i32
      %mul3A_573 = vector.broadcast %mul3A_572 : i32 to vector<16xi32>
      %mul3A_574 = arith.muli %iota3A, %mul3A_573 : vector<16xi32>
      %add3A_575 = arith.constant 2 : i32
      %add3A_576 = vector.broadcast %add3A_575 : i32 to vector<16xi32>
      %add3A_577 = arith.addi %mul3A_574, %add3A_576 : vector<16xi32>
      %mul3A_578 = arith.constant 20 : i32
      %mul3A_579 = vector.broadcast %mul3A_578 : i32 to vector<16xi32>
      %mul3A_580 = arith.muli %iota3A, %mul3A_579 : vector<16xi32>
      %add3A_581 = arith.constant 3 : i32
      %add3A_582 = vector.broadcast %add3A_581 : i32 to vector<16xi32>
      %add3A_583 = arith.addi %mul3A_580, %add3A_582 : vector<16xi32>
      %mul3A_584 = arith.constant 20 : i32
      %mul3A_585 = vector.broadcast %mul3A_584 : i32 to vector<16xi32>
      %mul3A_586 = arith.muli %iota3A, %mul3A_585 : vector<16xi32>
      %add3A_587 = arith.constant 4 : i32
      %add3A_588 = vector.broadcast %add3A_587 : i32 to vector<16xi32>
      %add3A_589 = arith.addi %mul3A_586, %add3A_588 : vector<16xi32>
      %mul3A_590 = arith.constant 20 : i32
      %mul3A_591 = vector.broadcast %mul3A_590 : i32 to vector<16xi32>
      %mul3A_592 = arith.muli %iota3A, %mul3A_591 : vector<16xi32>
      %add3A_593 = arith.constant 5 : i32
      %add3A_594 = vector.broadcast %add3A_593 : i32 to vector<16xi32>
      %add3A_595 = arith.addi %mul3A_592, %add3A_594 : vector<16xi32>
      %mul3A_596 = arith.constant 20 : i32
      %mul3A_597 = vector.broadcast %mul3A_596 : i32 to vector<16xi32>
      %mul3A_598 = arith.muli %iota3A, %mul3A_597 : vector<16xi32>
      %add3A_599 = arith.constant 6 : i32
      %add3A_600 = vector.broadcast %add3A_599 : i32 to vector<16xi32>
      %add3A_601 = arith.addi %mul3A_598, %add3A_600 : vector<16xi32>
      %mul3A_602 = arith.constant 20 : i32
      %mul3A_603 = vector.broadcast %mul3A_602 : i32 to vector<16xi32>
      %mul3A_604 = arith.muli %iota3A, %mul3A_603 : vector<16xi32>
      %add3A_605 = arith.constant 7 : i32
      %add3A_606 = vector.broadcast %add3A_605 : i32 to vector<16xi32>
      %add3A_607 = arith.addi %mul3A_604, %add3A_606 : vector<16xi32>
      %mul3A_608 = arith.constant 20 : i32
      %mul3A_609 = vector.broadcast %mul3A_608 : i32 to vector<16xi32>
      %mul3A_610 = arith.muli %iota3A, %mul3A_609 : vector<16xi32>
      %add3A_611 = arith.constant 8 : i32
      %add3A_612 = vector.broadcast %add3A_611 : i32 to vector<16xi32>
      %add3A_613 = arith.addi %mul3A_610, %add3A_612 : vector<16xi32>
      %mul3A_614 = arith.constant 20 : i32
      %mul3A_615 = vector.broadcast %mul3A_614 : i32 to vector<16xi32>
      %mul3A_616 = arith.muli %iota3A, %mul3A_615 : vector<16xi32>
      %add3A_617 = arith.constant 9 : i32
      %add3A_618 = vector.broadcast %add3A_617 : i32 to vector<16xi32>
      %add3A_619 = arith.addi %mul3A_616, %add3A_618 : vector<16xi32>
      %mul3A_620 = arith.constant 20 : i32
      %mul3A_621 = vector.broadcast %mul3A_620 : i32 to vector<16xi32>
      %mul3A_622 = arith.muli %iota3A, %mul3A_621 : vector<16xi32>
      %add3A_623 = arith.constant 10 : i32
      %add3A_624 = vector.broadcast %add3A_623 : i32 to vector<16xi32>
      %add3A_625 = arith.addi %mul3A_622, %add3A_624 : vector<16xi32>
      %mul3A_626 = arith.constant 20 : i32
      %mul3A_627 = vector.broadcast %mul3A_626 : i32 to vector<16xi32>
      %mul3A_628 = arith.muli %iota3A, %mul3A_627 : vector<16xi32>
      %add3A_629 = arith.constant 11 : i32
      %add3A_630 = vector.broadcast %add3A_629 : i32 to vector<16xi32>
      %add3A_631 = arith.addi %mul3A_628, %add3A_630 : vector<16xi32>
      %mul3A_632 = arith.constant 20 : i32
      %mul3A_633 = vector.broadcast %mul3A_632 : i32 to vector<16xi32>
      %mul3A_634 = arith.muli %iota3A, %mul3A_633 : vector<16xi32>
      %add3A_635 = arith.constant 12 : i32
      %add3A_636 = vector.broadcast %add3A_635 : i32 to vector<16xi32>
      %add3A_637 = arith.addi %mul3A_634, %add3A_636 : vector<16xi32>
      %mul3A_638 = arith.constant 20 : i32
      %mul3A_639 = vector.broadcast %mul3A_638 : i32 to vector<16xi32>
      %mul3A_640 = arith.muli %iota3A, %mul3A_639 : vector<16xi32>
      %add3A_641 = arith.constant 13 : i32
      %add3A_642 = vector.broadcast %add3A_641 : i32 to vector<16xi32>
      %add3A_643 = arith.addi %mul3A_640, %add3A_642 : vector<16xi32>
      %mul3A_644 = arith.constant 20 : i32
      %mul3A_645 = vector.broadcast %mul3A_644 : i32 to vector<16xi32>
      %mul3A_646 = arith.muli %iota3A, %mul3A_645 : vector<16xi32>
      %add3A_647 = arith.constant 14 : i32
      %add3A_648 = vector.broadcast %add3A_647 : i32 to vector<16xi32>
      %add3A_649 = arith.addi %mul3A_646, %add3A_648 : vector<16xi32>
      %mul3A_650 = arith.constant 20 : i32
      %mul3A_651 = vector.broadcast %mul3A_650 : i32 to vector<16xi32>
      %mul3A_652 = arith.muli %iota3A, %mul3A_651 : vector<16xi32>
      %add3A_653 = arith.constant 15 : i32
      %add3A_654 = vector.broadcast %add3A_653 : i32 to vector<16xi32>
      %add3A_655 = arith.addi %mul3A_652, %add3A_654 : vector<16xi32>
      %mul3A_656 = arith.constant 20 : i32
      %mul3A_657 = vector.broadcast %mul3A_656 : i32 to vector<16xi32>
      %mul3A_658 = arith.muli %iota3A, %mul3A_657 : vector<16xi32>
      %add3A_659 = arith.constant 16 : i32
      %add3A_660 = vector.broadcast %add3A_659 : i32 to vector<16xi32>
      %add3A_661 = arith.addi %mul3A_658, %add3A_660 : vector<16xi32>
      %mul3A_662 = arith.constant 20 : i32
      %mul3A_663 = vector.broadcast %mul3A_662 : i32 to vector<16xi32>
      %mul3A_664 = arith.muli %iota3A, %mul3A_663 : vector<16xi32>
      %add3A_665 = arith.constant 17 : i32
      %add3A_666 = vector.broadcast %add3A_665 : i32 to vector<16xi32>
      %add3A_667 = arith.addi %mul3A_664, %add3A_666 : vector<16xi32>
      %mul3A_668 = arith.constant 20 : i32
      %mul3A_669 = vector.broadcast %mul3A_668 : i32 to vector<16xi32>
      %mul3A_670 = arith.muli %iota3A, %mul3A_669 : vector<16xi32>
      %add3A_671 = arith.constant 18 : i32
      %add3A_672 = vector.broadcast %add3A_671 : i32 to vector<16xi32>
      %add3A_673 = arith.addi %mul3A_670, %add3A_672 : vector<16xi32>
      %mul3A_674 = arith.constant 20 : i32
      %mul3A_675 = vector.broadcast %mul3A_674 : i32 to vector<16xi32>
      %mul3A_676 = arith.muli %iota3A, %mul3A_675 : vector<16xi32>
      %add3A_677 = arith.constant 19 : i32
      %add3A_678 = vector.broadcast %add3A_677 : i32 to vector<16xi32>
      %add3A_679 = arith.addi %mul3A_676, %add3A_678 : vector<16xi32>
      %mul3A_680 = arith.constant 16 : i32
      %mul3A_681 = arith.muli %add3A_535, %mul3A_680 : i32
      %broadcast_in_dim3A_682 = arith.constant 0.000000e+00 : f32
      %broadcast_in_dim3A_683 = vector.broadcast %broadcast_in_dim3A_682 : f32 to vector<16xf32>
      %broadcast_in_dim3A_684 = arith.constant 0.000000e+00 : f32
      %broadcast_in_dim3A_685 = vector.broadcast %broadcast_in_dim3A_684 : f32 to vector<16xf32>
      %broadcast_in_dim3A_686 = arith.constant 0.000000e+00 : f32
      %broadcast_in_dim3A_687 = vector.broadcast %broadcast_in_dim3A_686 : f32 to vector<16xf32>
      %broadcast_in_dim3A_688 = arith.constant 0.000000e+00 : f32
      %broadcast_in_dim3A_689 = vector.broadcast %broadcast_in_dim3A_688 : f32 to vector<16xf32>
      %broadcast_in_dim3A_690 = arith.constant 0.000000e+00 : f32
      %broadcast_in_dim3A_691 = vector.broadcast %broadcast_in_dim3A_690 : f32 to vector<16xf32>
      %broadcast_in_dim3A_692 = arith.constant 0.000000e+00 : f32
      %broadcast_in_dim3A_693 = vector.broadcast %broadcast_in_dim3A_692 : f32 to vector<16xf32>
      %broadcast_in_dim3A_694 = arith.constant 0.000000e+00 : f32
      %broadcast_in_dim3A_695 = vector.broadcast %broadcast_in_dim3A_694 : f32 to vector<16xf32>
      %broadcast_in_dim3A_696 = arith.constant 0.000000e+00 : f32
      %broadcast_in_dim3A_697 = vector.broadcast %broadcast_in_dim3A_696 : f32 to vector<16xf32>
      %scan3A_698 = arith.constant 1 : i32
      %scan3A_699 = arith.constant 1 : i32
      %scan3A_700 = arith.constant 1 : i32
      %scan3A_701 = arith.constant 0 : i32
      %scan3A_702 = arith.constant 64 : i32
      %scan3A_703 = arith.addi %scan3A_701, %scan3A_702 : i32
      %scan3A_704 = arith.constant 1 : i32
      %scan3A_705:8 = scf.for %scan3A_911 = %scan3A_701 to %scan3A_703 step %scan3A_704 iter_args(%scan3A_912 = %broadcast_in_dim3A_683, %scan3A_913 = %broadcast_in_dim3A_685, %scan3A_914 = %broadcast_in_dim3A_687, %scan3A_915 = %broadcast_in_dim3A_689, %scan3A_916 = %broadcast_in_dim3A_691, %scan3A_917 = %broadcast_in_dim3A_693, %scan3A_918 = %broadcast_in_dim3A_695, %scan3A_919 = %broadcast_in_dim3A_697) -> (vector<16xf32>, vector<16xf32>, vector<16xf32>, vector<16xf32>, vector<16xf32>, vector<16xf32>, vector<16xf32>, vector<16xf32>)  : i32 {
        %broadcast_in_dim3A_920 = vector.broadcast %scan3A_911 : i32 to vector<16xi32>
        %gather3A = arith.constant 0 : i32
        %gather3A_921 = arith.constant 0 : i32
        %gather3A_922 = tpu.memref_slice %arg10[%scan3A_698, %gather3A, %gather3A_921] : memref<2x16x64xf32, #tpu.memory_space<vmem>> -> memref<1x16x64xf32, #tpu.memory_space<vmem>>
        %gather3A_923 = tpu.memref_squeeze %gather3A_922 : memref<1x16x64xf32, #tpu.memory_space<vmem>> -> memref<16x64xf32, #tpu.memory_space<vmem>>
        %gather3A_924 = tpu.vector_load_idx %gather3A_923[%iota3A, %broadcast_in_dim3A_920] : memref<16x64xf32, #tpu.memory_space<vmem>>[vector<16xi32>, vector<16xi32>], vector<16xf32>,
        %gather3A_925 = arith.constant 0 : i32
        %gather3A_926 = arith.constant 0 : i32
        %gather3A_927 = tpu.memref_slice %arg11[%scan3A_699, %gather3A_925, %gather3A_926] : memref<2x64x64xf32, #tpu.memory_space<vmem>> -> memref<1x64x64xf32, #tpu.memory_space<vmem>>
        %gather3A_928 = tpu.memref_squeeze %gather3A_927 : memref<1x64x64xf32, #tpu.memory_space<vmem>> -> memref<64x64xf32, #tpu.memory_space<vmem>>
        %gather3A_929 = tpu.vector_load_idx %gather3A_928[%add3A_541, %broadcast_in_dim3A_920] : memref<64x64xf32, #tpu.memory_space<vmem>>[vector<16xi32>, vector<16xi32>], vector<16xf32>,
        %mul3A_930 = arith.mulf %gather3A_924, %gather3A_929 : vector<16xf32>
        %add3A_931 = arith.addf %scan3A_912, %mul3A_930 : vector<16xf32>
        %gather3A_932 = arith.constant 0 : i32
        %gather3A_933 = arith.constant 0 : i32
        %gather3A_934 = tpu.memref_slice %arg11[%scan3A_699, %gather3A_932, %gather3A_933] : memref<2x64x64xf32, #tpu.memory_space<vmem>> -> memref<1x64x64xf32, #tpu.memory_space<vmem>>
        %gather3A_935 = tpu.memref_squeeze %gather3A_934 : memref<1x64x64xf32, #tpu.memory_space<vmem>> -> memref<64x64xf32, #tpu.memory_space<vmem>>
        %gather3A_936 = tpu.vector_load_idx %gather3A_935[%add3A_547, %broadcast_in_dim3A_920] : memref<64x64xf32, #tpu.memory_space<vmem>>[vector<16xi32>, vector<16xi32>], vector<16xf32>,
        %mul3A_937 = arith.mulf %gather3A_924, %gather3A_936 : vector<16xf32>
        %add3A_938 = arith.addf %scan3A_913, %mul3A_937 : vector<16xf32>
        %gather3A_939 = arith.constant 0 : i32
        %gather3A_940 = arith.constant 0 : i32
        %gather3A_941 = tpu.memref_slice %arg11[%scan3A_699, %gather3A_939, %gather3A_940] : memref<2x64x64xf32, #tpu.memory_space<vmem>> -> memref<1x64x64xf32, #tpu.memory_space<vmem>>
        %gather3A_942 = tpu.memref_squeeze %gather3A_941 : memref<1x64x64xf32, #tpu.memory_space<vmem>> -> memref<64x64xf32, #tpu.memory_space<vmem>>
        %gather3A_943 = tpu.vector_load_idx %gather3A_942[%add3A_553, %broadcast_in_dim3A_920] : memref<64x64xf32, #tpu.memory_space<vmem>>[vector<16xi32>, vector<16xi32>], vector<16xf32>,
        %mul3A_944 = arith.mulf %gather3A_924, %gather3A_943 : vector<16xf32>
        %add3A_945 = arith.addf %scan3A_914, %mul3A_944 : vector<16xf32>
        %gather3A_946 = arith.constant 0 : i32
        %gather3A_947 = arith.constant 0 : i32
        %gather3A_948 = tpu.memref_slice %arg11[%scan3A_699, %gather3A_946, %gather3A_947] : memref<2x64x64xf32, #tpu.memory_space<vmem>> -> memref<1x64x64xf32, #tpu.memory_space<vmem>>
        %gather3A_949 = tpu.memref_squeeze %gather3A_948 : memref<1x64x64xf32, #tpu.memory_space<vmem>> -> memref<64x64xf32, #tpu.memory_space<vmem>>
        %gather3A_950 = tpu.vector_load_idx %gather3A_949[%add3A_559, %broadcast_in_dim3A_920] : memref<64x64xf32, #tpu.memory_space<vmem>>[vector<16xi32>, vector<16xi32>], vector<16xf32>,
        %mul3A_951 = arith.mulf %gather3A_924, %gather3A_950 : vector<16xf32>
        %add3A_952 = arith.addf %scan3A_915, %mul3A_951 : vector<16xf32>
        %gather3A_953 = arith.constant 0 : i32
        %gather3A_954 = arith.constant 0 : i32
        %gather3A_955 = tpu.memref_slice %arg12[%scan3A_700, %gather3A_953, %gather3A_954] : memref<2x320x64xf32, #tpu.memory_space<vmem>> -> memref<1x320x64xf32, #tpu.memory_space<vmem>>
        %gather3A_956 = tpu.memref_squeeze %gather3A_955 : memref<1x320x64xf32, #tpu.memory_space<vmem>> -> memref<320x64xf32, #tpu.memory_space<vmem>>
        %gather3A_957 = tpu.vector_load_idx %gather3A_956[%add3A_565, %broadcast_in_dim3A_920] : memref<320x64xf32, #tpu.memory_space<vmem>>[vector<16xi32>, vector<16xi32>], vector<16xf32>,
        %mul3A_958 = arith.mulf %gather3A_924, %gather3A_957 : vector<16xf32>
        %add3A_959 = arith.addf %scan3A_916, %mul3A_958 : vector<16xf32>
        %gather3A_960 = arith.constant 0 : i32
        %gather3A_961 = arith.constant 0 : i32
        %gather3A_962 = tpu.memref_slice %arg12[%scan3A_700, %gather3A_960, %gather3A_961] : memref<2x320x64xf32, #tpu.memory_space<vmem>> -> memref<1x320x64xf32, #tpu.memory_space<vmem>>
        %gather3A_963 = tpu.memref_squeeze %gather3A_962 : memref<1x320x64xf32, #tpu.memory_space<vmem>> -> memref<320x64xf32, #tpu.memory_space<vmem>>
        %gather3A_964 = tpu.vector_load_idx %gather3A_963[%add3A_571, %broadcast_in_dim3A_920] : memref<320x64xf32, #tpu.memory_space<vmem>>[vector<16xi32>, vector<16xi32>], vector<16xf32>,
        %mul3A_965 = arith.mulf %gather3A_924, %gather3A_964 : vector<16xf32>
        %add3A_966 = arith.addf %scan3A_917, %mul3A_965 : vector<16xf32>
        %gather3A_967 = arith.constant 0 : i32
        %gather3A_968 = arith.constant 0 : i32
        %gather3A_969 = tpu.memref_slice %arg12[%scan3A_700, %gather3A_967, %gather3A_968] : memref<2x320x64xf32, #tpu.memory_space<vmem>> -> memref<1x320x64xf32, #tpu.memory_space<vmem>>
        %gather3A_970 = tpu.memref_squeeze %gather3A_969 : memref<1x320x64xf32, #tpu.memory_space<vmem>> -> memref<320x64xf32, #tpu.memory_space<vmem>>
        %gather3A_971 = tpu.vector_load_idx %gather3A_970[%add3A_577, %broadcast_in_dim3A_920] : memref<320x64xf32, #tpu.memory_space<vmem>>[vector<16xi32>, vector<16xi32>], vector<16xf32>,
        %mul3A_972 = arith.mulf %gather3A_924, %gather3A_971 : vector<16xf32>
        %add3A_973 = arith.addf %scan3A_918, %mul3A_972 : vector<16xf32>
        %gather3A_974 = arith.constant 0 : i32
        %gather3A_975 = arith.constant 0 : i32
        %gather3A_976 = tpu.memref_slice %arg12[%scan3A_700, %gather3A_974, %gather3A_975] : memref<2x320x64xf32, #tpu.memory_space<vmem>> -> memref<1x320x64xf32, #tpu.memory_space<vmem>>
        %gather3A_977 = tpu.memref_squeeze %gather3A_976 : memref<1x320x64xf32, #tpu.memory_space<vmem>> -> memref<320x64xf32, #tpu.memory_space<vmem>>
        %gather3A_978 = tpu.vector_load_idx %gather3A_977[%add3A_583, %broadcast_in_dim3A_920] : memref<320x64xf32, #tpu.memory_space<vmem>>[vector<16xi32>, vector<16xi32>], vector<16xf32>,
        %mul3A_979 = arith.mulf %gather3A_924, %gather3A_978 : vector<16xf32>
        %add3A_980 = arith.addf %scan3A_919, %mul3A_979 : vector<16xf32>
        scf.yield %add3A_931, %add3A_938, %add3A_945, %add3A_952, %add3A_959, %add3A_966, %add3A_973, %add3A_980 : vector<16xf32>, vector<16xf32>, vector<16xf32>, vector<16xf32>, vector<16xf32>, vector<16xf32>, vector<16xf32>, vector<16xf32>
      }
      %scan3A_706 = arith.constant 64 : i32
      %swap3A_707 = arith.constant 0 : i32
      %swap3A_708 = arith.index_cast %swap3A_707 : i32 to index
      %swap3A_709 = arith.index_cast %mul3A_681 : i32 to index
      %swap3A_710 = tpu.vector_load %arg13[%swap3A_708, %swap3A_709] {strides = array<i32>} : memref<24x512xf32, #tpu.memory_space<vmem>>, vector<16xf32>,
      tpu.vector_store %arg13[%swap3A_708, %swap3A_709], %scan3A_705#0 {strides = array<i32>} : memref<24x512xf32, #tpu.memory_space<vmem>>, vector<16xf32>,
      %swap3A_711 = arith.constant 1 : i32
      %swap3A_712 = arith.index_cast %swap3A_711 : i32 to index
      %swap3A_713 = arith.index_cast %mul3A_681 : i32 to index
      %swap3A_714 = tpu.vector_load %arg13[%swap3A_712, %swap3A_713] {strides = array<i32>} : memref<24x512xf32, #tpu.memory_space<vmem>>, vector<16xf32>,
      tpu.vector_store %arg13[%swap3A_712, %swap3A_713], %scan3A_705#1 {strides = array<i32>} : memref<24x512xf32, #tpu.memory_space<vmem>>, vector<16xf32>,
      %swap3A_715 = arith.constant 2 : i32
      %swap3A_716 = arith.index_cast %swap3A_715 : i32 to index
      %swap3A_717 = arith.index_cast %mul3A_681 : i32 to index
      %swap3A_718 = tpu.vector_load %arg13[%swap3A_716, %swap3A_717] {strides = array<i32>} : memref<24x512xf32, #tpu.memory_space<vmem>>, vector<16xf32>,
      tpu.vector_store %arg13[%swap3A_716, %swap3A_717], %scan3A_705#2 {strides = array<i32>} : memref<24x512xf32, #tpu.memory_space<vmem>>, vector<16xf32>,
      %swap3A_719 = arith.constant 3 : i32
      %swap3A_720 = arith.index_cast %swap3A_719 : i32 to index
      %swap3A_721 = arith.index_cast %mul3A_681 : i32 to index
      %swap3A_722 = tpu.vector_load %arg13[%swap3A_720, %swap3A_721] {strides = array<i32>} : memref<24x512xf32, #tpu.memory_space<vmem>>, vector<16xf32>,
      tpu.vector_store %arg13[%swap3A_720, %swap3A_721], %scan3A_705#3 {strides = array<i32>} : memref<24x512xf32, #tpu.memory_space<vmem>>, vector<16xf32>,
      %neg3A_723 = arith.constant 0.000000e+00 : f32
      %neg3A_724 = vector.broadcast %neg3A_723 : f32 to vector<16xf32>
      %neg3A_725 = arith.subf %neg3A_724, %scan3A_705#4 : vector<16xf32>
      %swap3A_726 = arith.constant 4 : i32
      %swap3A_727 = arith.index_cast %swap3A_726 : i32 to index
      %swap3A_728 = arith.index_cast %mul3A_681 : i32 to index
      %swap3A_729 = tpu.vector_load %arg13[%swap3A_727, %swap3A_728] {strides = array<i32>} : memref<24x512xf32, #tpu.memory_space<vmem>>, vector<16xf32>,
      tpu.vector_store %arg13[%swap3A_727, %swap3A_728], %neg3A_725 {strides = array<i32>} : memref<24x512xf32, #tpu.memory_space<vmem>>, vector<16xf32>,
      %neg3A_730 = arith.constant 0.000000e+00 : f32
      %neg3A_731 = vector.broadcast %neg3A_730 : f32 to vector<16xf32>
      %neg3A_732 = arith.subf %neg3A_731, %scan3A_705#5 : vector<16xf32>
      %swap3A_733 = arith.constant 5 : i32
      %swap3A_734 = arith.index_cast %swap3A_733 : i32 to index
      %swap3A_735 = arith.index_cast %mul3A_681 : i32 to index
      %swap3A_736 = tpu.vector_load %arg13[%swap3A_734, %swap3A_735] {strides = array<i32>} : memref<24x512xf32, #tpu.memory_space<vmem>>, vector<16xf32>,
      tpu.vector_store %arg13[%swap3A_734, %swap3A_735], %neg3A_732 {strides = array<i32>} : memref<24x512xf32, #tpu.memory_space<vmem>>, vector<16xf32>,
      %neg3A_737 = arith.constant 0.000000e+00 : f32
      %neg3A_738 = vector.broadcast %neg3A_737 : f32 to vector<16xf32>
      %neg3A_739 = arith.subf %neg3A_738, %scan3A_705#6 : vector<16xf32>
      %swap3A_740 = arith.constant 6 : i32
      %swap3A_741 = arith.index_cast %swap3A_740 : i32 to index
      %swap3A_742 = arith.index_cast %mul3A_681 : i32 to index
      %swap3A_743 = tpu.vector_load %arg13[%swap3A_741, %swap3A_742] {strides = array<i32>} : memref<24x512xf32, #tpu.memory_space<vmem>>, vector<16xf32>,
      tpu.vector_store %arg13[%swap3A_741, %swap3A_742], %neg3A_739 {strides = array<i32>} : memref<24x512xf32, #tpu.memory_space<vmem>>, vector<16xf32>,
      %neg3A_744 = arith.constant 0.000000e+00 : f32
      %neg3A_745 = vector.broadcast %neg3A_744 : f32 to vector<16xf32>
      %neg3A_746 = arith.subf %neg3A_745, %scan3A_705#7 : vector<16xf32>
      %swap3A_747 = arith.constant 7 : i32
      %swap3A_748 = arith.index_cast %swap3A_747 : i32 to index
      %swap3A_749 = arith.index_cast %mul3A_681 : i32 to index
      %swap3A_750 = tpu.vector_load %arg13[%swap3A_748, %swap3A_749] {strides = array<i32>} : memref<24x512xf32, #tpu.memory_space<vmem>>, vector<16xf32>,
      tpu.vector_store %arg13[%swap3A_748, %swap3A_749], %neg3A_746 {strides = array<i32>} : memref<24x512xf32, #tpu.memory_space<vmem>>, vector<16xf32>,
      %broadcast_in_dim3A_751 = arith.constant 0.000000e+00 : f32
      %broadcast_in_dim3A_752 = vector.broadcast %broadcast_in_dim3A_751 : f32 to vector<16xf32>
      %broadcast_in_dim3A_753 = arith.constant 0.000000e+00 : f32
      %broadcast_in_dim3A_754 = vector.broadcast %broadcast_in_dim3A_753 : f32 to vector<16xf32>
      %broadcast_in_dim3A_755 = arith.constant 0.000000e+00 : f32
      %broadcast_in_dim3A_756 = vector.broadcast %broadcast_in_dim3A_755 : f32 to vector<16xf32>
      %broadcast_in_dim3A_757 = arith.constant 0.000000e+00 : f32
      %broadcast_in_dim3A_758 = vector.broadcast %broadcast_in_dim3A_757 : f32 to vector<16xf32>
      %broadcast_in_dim3A_759 = arith.constant 0.000000e+00 : f32
      %broadcast_in_dim3A_760 = vector.broadcast %broadcast_in_dim3A_759 : f32 to vector<16xf32>
      %broadcast_in_dim3A_761 = arith.constant 0.000000e+00 : f32
      %broadcast_in_dim3A_762 = vector.broadcast %broadcast_in_dim3A_761 : f32 to vector<16xf32>
      %broadcast_in_dim3A_763 = arith.constant 0.000000e+00 : f32
      %broadcast_in_dim3A_764 = vector.broadcast %broadcast_in_dim3A_763 : f32 to vector<16xf32>
      %broadcast_in_dim3A_765 = arith.constant 0.000000e+00 : f32
      %broadcast_in_dim3A_766 = vector.broadcast %broadcast_in_dim3A_765 : f32 to vector<16xf32>
      %scan3A_767 = arith.constant 1 : i32
      %scan3A_768 = arith.constant 1 : i32
      %scan3A_769 = arith.constant 0 : i32
      %scan3A_770 = arith.constant 64 : i32
      %scan3A_771 = arith.addi %scan3A_769, %scan3A_770 : i32
      %scan3A_772 = arith.constant 1 : i32
      %scan3A_773:8 = scf.for %scan3A_911 = %scan3A_769 to %scan3A_771 step %scan3A_772 iter_args(%scan3A_912 = %broadcast_in_dim3A_752, %scan3A_913 = %broadcast_in_dim3A_754, %scan3A_914 = %broadcast_in_dim3A_756, %scan3A_915 = %broadcast_in_dim3A_758, %scan3A_916 = %broadcast_in_dim3A_760, %scan3A_917 = %broadcast_in_dim3A_762, %scan3A_918 = %broadcast_in_dim3A_764, %scan3A_919 = %broadcast_in_dim3A_766) -> (vector<16xf32>, vector<16xf32>, vector<16xf32>, vector<16xf32>, vector<16xf32>, vector<16xf32>, vector<16xf32>, vector<16xf32>)  : i32 {
        %broadcast_in_dim3A_920 = vector.broadcast %scan3A_911 : i32 to vector<16xi32>
        %gather3A = arith.constant 0 : i32
        %gather3A_921 = arith.constant 0 : i32
        %gather3A_922 = tpu.memref_slice %arg10[%scan3A_767, %gather3A, %gather3A_921] : memref<2x16x64xf32, #tpu.memory_space<vmem>> -> memref<1x16x64xf32, #tpu.memory_space<vmem>>
        %gather3A_923 = tpu.memref_squeeze %gather3A_922 : memref<1x16x64xf32, #tpu.memory_space<vmem>> -> memref<16x64xf32, #tpu.memory_space<vmem>>
        %gather3A_924 = tpu.vector_load_idx %gather3A_923[%iota3A, %broadcast_in_dim3A_920] : memref<16x64xf32, #tpu.memory_space<vmem>>[vector<16xi32>, vector<16xi32>], vector<16xf32>,
        %gather3A_925 = arith.constant 0 : i32
        %gather3A_926 = arith.constant 0 : i32
        %gather3A_927 = tpu.memref_slice %arg12[%scan3A_768, %gather3A_925, %gather3A_926] : memref<2x320x64xf32, #tpu.memory_space<vmem>> -> memref<1x320x64xf32, #tpu.memory_space<vmem>>
        %gather3A_928 = tpu.memref_squeeze %gather3A_927 : memref<1x320x64xf32, #tpu.memory_space<vmem>> -> memref<320x64xf32, #tpu.memory_space<vmem>>
        %gather3A_929 = tpu.vector_load_idx %gather3A_928[%add3A_589, %broadcast_in_dim3A_920] : memref<320x64xf32, #tpu.memory_space<vmem>>[vector<16xi32>, vector<16xi32>], vector<16xf32>,
        %mul3A_930 = arith.mulf %gather3A_924, %gather3A_929 : vector<16xf32>
        %add3A_931 = arith.addf %scan3A_912, %mul3A_930 : vector<16xf32>
        %gather3A_932 = arith.constant 0 : i32
        %gather3A_933 = arith.constant 0 : i32
        %gather3A_934 = tpu.memref_slice %arg12[%scan3A_768, %gather3A_932, %gather3A_933] : memref<2x320x64xf32, #tpu.memory_space<vmem>> -> memref<1x320x64xf32, #tpu.memory_space<vmem>>
        %gather3A_935 = tpu.memref_squeeze %gather3A_934 : memref<1x320x64xf32, #tpu.memory_space<vmem>> -> memref<320x64xf32, #tpu.memory_space<vmem>>
        %gather3A_936 = tpu.vector_load_idx %gather3A_935[%add3A_595, %broadcast_in_dim3A_920] : memref<320x64xf32, #tpu.memory_space<vmem>>[vector<16xi32>, vector<16xi32>], vector<16xf32>,
        %mul3A_937 = arith.mulf %gather3A_924, %gather3A_936 : vector<16xf32>
        %add3A_938 = arith.addf %scan3A_913, %mul3A_937 : vector<16xf32>
        %gather3A_939 = arith.constant 0 : i32
        %gather3A_940 = arith.constant 0 : i32
        %gather3A_941 = tpu.memref_slice %arg12[%scan3A_768, %gather3A_939, %gather3A_940] : memref<2x320x64xf32, #tpu.memory_space<vmem>> -> memref<1x320x64xf32, #tpu.memory_space<vmem>>
        %gather3A_942 = tpu.memref_squeeze %gather3A_941 : memref<1x320x64xf32, #tpu.memory_space<vmem>> -> memref<320x64xf32, #tpu.memory_space<vmem>>
        %gather3A_943 = tpu.vector_load_idx %gather3A_942[%add3A_601, %broadcast_in_dim3A_920] : memref<320x64xf32, #tpu.memory_space<vmem>>[vector<16xi32>, vector<16xi32>], vector<16xf32>,
        %mul3A_944 = arith.mulf %gather3A_924, %gather3A_943 : vector<16xf32>
        %add3A_945 = arith.addf %scan3A_914, %mul3A_944 : vector<16xf32>
        %gather3A_946 = arith.constant 0 : i32
        %gather3A_947 = arith.constant 0 : i32
        %gather3A_948 = tpu.memref_slice %arg12[%scan3A_768, %gather3A_946, %gather3A_947] : memref<2x320x64xf32, #tpu.memory_space<vmem>> -> memref<1x320x64xf32, #tpu.memory_space<vmem>>
        %gather3A_949 = tpu.memref_squeeze %gather3A_948 : memref<1x320x64xf32, #tpu.memory_space<vmem>> -> memref<320x64xf32, #tpu.memory_space<vmem>>
        %gather3A_950 = tpu.vector_load_idx %gather3A_949[%add3A_607, %broadcast_in_dim3A_920] : memref<320x64xf32, #tpu.memory_space<vmem>>[vector<16xi32>, vector<16xi32>], vector<16xf32>,
        %mul3A_951 = arith.mulf %gather3A_924, %gather3A_950 : vector<16xf32>
        %add3A_952 = arith.addf %scan3A_915, %mul3A_951 : vector<16xf32>
        %gather3A_953 = arith.constant 0 : i32
        %gather3A_954 = arith.constant 0 : i32
        %gather3A_955 = tpu.memref_slice %arg12[%scan3A_768, %gather3A_953, %gather3A_954] : memref<2x320x64xf32, #tpu.memory_space<vmem>> -> memref<1x320x64xf32, #tpu.memory_space<vmem>>
        %gather3A_956 = tpu.memref_squeeze %gather3A_955 : memref<1x320x64xf32, #tpu.memory_space<vmem>> -> memref<320x64xf32, #tpu.memory_space<vmem>>
        %gather3A_957 = tpu.vector_load_idx %gather3A_956[%add3A_613, %broadcast_in_dim3A_920] : memref<320x64xf32, #tpu.memory_space<vmem>>[vector<16xi32>, vector<16xi32>], vector<16xf32>,
        %mul3A_958 = arith.mulf %gather3A_924, %gather3A_957 : vector<16xf32>
        %add3A_959 = arith.addf %scan3A_916, %mul3A_958 : vector<16xf32>
        %gather3A_960 = arith.constant 0 : i32
        %gather3A_961 = arith.constant 0 : i32
        %gather3A_962 = tpu.memref_slice %arg12[%scan3A_768, %gather3A_960, %gather3A_961] : memref<2x320x64xf32, #tpu.memory_space<vmem>> -> memref<1x320x64xf32, #tpu.memory_space<vmem>>
        %gather3A_963 = tpu.memref_squeeze %gather3A_962 : memref<1x320x64xf32, #tpu.memory_space<vmem>> -> memref<320x64xf32, #tpu.memory_space<vmem>>
        %gather3A_964 = tpu.vector_load_idx %gather3A_963[%add3A_619, %broadcast_in_dim3A_920] : memref<320x64xf32, #tpu.memory_space<vmem>>[vector<16xi32>, vector<16xi32>], vector<16xf32>,
        %mul3A_965 = arith.mulf %gather3A_924, %gather3A_964 : vector<16xf32>
        %add3A_966 = arith.addf %scan3A_917, %mul3A_965 : vector<16xf32>
        %gather3A_967 = arith.constant 0 : i32
        %gather3A_968 = arith.constant 0 : i32
        %gather3A_969 = tpu.memref_slice %arg12[%scan3A_768, %gather3A_967, %gather3A_968] : memref<2x320x64xf32, #tpu.memory_space<vmem>> -> memref<1x320x64xf32, #tpu.memory_space<vmem>>
        %gather3A_970 = tpu.memref_squeeze %gather3A_969 : memref<1x320x64xf32, #tpu.memory_space<vmem>> -> memref<320x64xf32, #tpu.memory_space<vmem>>
        %gather3A_971 = tpu.vector_load_idx %gather3A_970[%add3A_625, %broadcast_in_dim3A_920] : memref<320x64xf32, #tpu.memory_space<vmem>>[vector<16xi32>, vector<16xi32>], vector<16xf32>,
        %mul3A_972 = arith.mulf %gather3A_924, %gather3A_971 : vector<16xf32>
        %add3A_973 = arith.addf %scan3A_918, %mul3A_972 : vector<16xf32>
        %gather3A_974 = arith.constant 0 : i32
        %gather3A_975 = arith.constant 0 : i32
        %gather3A_976 = tpu.memref_slice %arg12[%scan3A_768, %gather3A_974, %gather3A_975] : memref<2x320x64xf32, #tpu.memory_space<vmem>> -> memref<1x320x64xf32, #tpu.memory_space<vmem>>
        %gather3A_977 = tpu.memref_squeeze %gather3A_976 : memref<1x320x64xf32, #tpu.memory_space<vmem>> -> memref<320x64xf32, #tpu.memory_space<vmem>>
        %gather3A_978 = tpu.vector_load_idx %gather3A_977[%add3A_631, %broadcast_in_dim3A_920] : memref<320x64xf32, #tpu.memory_space<vmem>>[vector<16xi32>, vector<16xi32>], vector<16xf32>,
        %mul3A_979 = arith.mulf %gather3A_924, %gather3A_978 : vector<16xf32>
        %add3A_980 = arith.addf %scan3A_919, %mul3A_979 : vector<16xf32>
        scf.yield %add3A_931, %add3A_938, %add3A_945, %add3A_952, %add3A_959, %add3A_966, %add3A_973, %add3A_980 : vector<16xf32>, vector<16xf32>, vector<16xf32>, vector<16xf32>, vector<16xf32>, vector<16xf32>, vector<16xf32>, vector<16xf32>
      }
      %scan3A_774 = arith.constant 64 : i32
      %neg3A_775 = arith.constant 0.000000e+00 : f32
      %neg3A_776 = vector.broadcast %neg3A_775 : f32 to vector<16xf32>
      %neg3A_777 = arith.subf %neg3A_776, %scan3A_773#0 : vector<16xf32>
      %swap3A_778 = arith.constant 8 : i32
      %swap3A_779 = arith.index_cast %swap3A_778 : i32 to index
      %swap3A_780 = arith.index_cast %mul3A_681 : i32 to index
      %swap3A_781 = tpu.vector_load %arg13[%swap3A_779, %swap3A_780] {strides = array<i32>} : memref<24x512xf32, #tpu.memory_space<vmem>>, vector<16xf32>,
      tpu.vector_store %arg13[%swap3A_779, %swap3A_780], %neg3A_777 {strides = array<i32>} : memref<24x512xf32, #tpu.memory_space<vmem>>, vector<16xf32>,
      %neg3A_782 = arith.constant 0.000000e+00 : f32
      %neg3A_783 = vector.broadcast %neg3A_782 : f32 to vector<16xf32>
      %neg3A_784 = arith.subf %neg3A_783, %scan3A_773#1 : vector<16xf32>
      %swap3A_785 = arith.constant 9 : i32
      %swap3A_786 = arith.index_cast %swap3A_785 : i32 to index
      %swap3A_787 = arith.index_cast %mul3A_681 : i32 to index
      %swap3A_788 = tpu.vector_load %arg13[%swap3A_786, %swap3A_787] {strides = array<i32>} : memref<24x512xf32, #tpu.memory_space<vmem>>, vector<16xf32>,
      tpu.vector_store %arg13[%swap3A_786, %swap3A_787], %neg3A_784 {strides = array<i32>} : memref<24x512xf32, #tpu.memory_space<vmem>>, vector<16xf32>,
      %neg3A_789 = arith.constant 0.000000e+00 : f32
      %neg3A_790 = vector.broadcast %neg3A_789 : f32 to vector<16xf32>
      %neg3A_791 = arith.subf %neg3A_790, %scan3A_773#2 : vector<16xf32>
      %swap3A_792 = arith.constant 10 : i32
      %swap3A_793 = arith.index_cast %swap3A_792 : i32 to index
      %swap3A_794 = arith.index_cast %mul3A_681 : i32 to index
      %swap3A_795 = tpu.vector_load %arg13[%swap3A_793, %swap3A_794] {strides = array<i32>} : memref<24x512xf32, #tpu.memory_space<vmem>>, vector<16xf32>,
      tpu.vector_store %arg13[%swap3A_793, %swap3A_794], %neg3A_791 {strides = array<i32>} : memref<24x512xf32, #tpu.memory_space<vmem>>, vector<16xf32>,
      %neg3A_796 = arith.constant 0.000000e+00 : f32
      %neg3A_797 = vector.broadcast %neg3A_796 : f32 to vector<16xf32>
      %neg3A_798 = arith.subf %neg3A_797, %scan3A_773#3 : vector<16xf32>
      %swap3A_799 = arith.constant 11 : i32
      %swap3A_800 = arith.index_cast %swap3A_799 : i32 to index
      %swap3A_801 = arith.index_cast %mul3A_681 : i32 to index
      %swap3A_802 = tpu.vector_load %arg13[%swap3A_800, %swap3A_801] {strides = array<i32>} : memref<24x512xf32, #tpu.memory_space<vmem>>, vector<16xf32>,
      tpu.vector_store %arg13[%swap3A_800, %swap3A_801], %neg3A_798 {strides = array<i32>} : memref<24x512xf32, #tpu.memory_space<vmem>>, vector<16xf32>,
      %neg3A_803 = arith.constant 0.000000e+00 : f32
      %neg3A_804 = vector.broadcast %neg3A_803 : f32 to vector<16xf32>
      %neg3A_805 = arith.subf %neg3A_804, %scan3A_773#4 : vector<16xf32>
      %swap3A_806 = arith.constant 12 : i32
      %swap3A_807 = arith.index_cast %swap3A_806 : i32 to index
      %swap3A_808 = arith.index_cast %mul3A_681 : i32 to index
      %swap3A_809 = tpu.vector_load %arg13[%swap3A_807, %swap3A_808] {strides = array<i32>} : memref<24x512xf32, #tpu.memory_space<vmem>>, vector<16xf32>,
      tpu.vector_store %arg13[%swap3A_807, %swap3A_808], %neg3A_805 {strides = array<i32>} : memref<24x512xf32, #tpu.memory_space<vmem>>, vector<16xf32>,
      %neg3A_810 = arith.constant 0.000000e+00 : f32
      %neg3A_811 = vector.broadcast %neg3A_810 : f32 to vector<16xf32>
      %neg3A_812 = arith.subf %neg3A_811, %scan3A_773#5 : vector<16xf32>
      %swap3A_813 = arith.constant 13 : i32
      %swap3A_814 = arith.index_cast %swap3A_813 : i32 to index
      %swap3A_815 = arith.index_cast %mul3A_681 : i32 to index
      %swap3A_816 = tpu.vector_load %arg13[%swap3A_814, %swap3A_815] {strides = array<i32>} : memref<24x512xf32, #tpu.memory_space<vmem>>, vector<16xf32>,
      tpu.vector_store %arg13[%swap3A_814, %swap3A_815], %neg3A_812 {strides = array<i32>} : memref<24x512xf32, #tpu.memory_space<vmem>>, vector<16xf32>,
      %neg3A_817 = arith.constant 0.000000e+00 : f32
      %neg3A_818 = vector.broadcast %neg3A_817 : f32 to vector<16xf32>
      %neg3A_819 = arith.subf %neg3A_818, %scan3A_773#6 : vector<16xf32>
      %swap3A_820 = arith.constant 14 : i32
      %swap3A_821 = arith.index_cast %swap3A_820 : i32 to index
      %swap3A_822 = arith.index_cast %mul3A_681 : i32 to index
      %swap3A_823 = tpu.vector_load %arg13[%swap3A_821, %swap3A_822] {strides = array<i32>} : memref<24x512xf32, #tpu.memory_space<vmem>>, vector<16xf32>,
      tpu.vector_store %arg13[%swap3A_821, %swap3A_822], %neg3A_819 {strides = array<i32>} : memref<24x512xf32, #tpu.memory_space<vmem>>, vector<16xf32>,
      %neg3A_824 = arith.constant 0.000000e+00 : f32
      %neg3A_825 = vector.broadcast %neg3A_824 : f32 to vector<16xf32>
      %neg3A_826 = arith.subf %neg3A_825, %scan3A_773#7 : vector<16xf32>
      %swap3A_827 = arith.constant 15 : i32
      %swap3A_828 = arith.index_cast %swap3A_827 : i32 to index
      %swap3A_829 = arith.index_cast %mul3A_681 : i32 to index
      %swap3A_830 = tpu.vector_load %arg13[%swap3A_828, %swap3A_829] {strides = array<i32>} : memref<24x512xf32, #tpu.memory_space<vmem>>, vector<16xf32>,
      tpu.vector_store %arg13[%swap3A_828, %swap3A_829], %neg3A_826 {strides = array<i32>} : memref<24x512xf32, #tpu.memory_space<vmem>>, vector<16xf32>,
      %broadcast_in_dim3A_831 = arith.constant 0.000000e+00 : f32
      %broadcast_in_dim3A_832 = vector.broadcast %broadcast_in_dim3A_831 : f32 to vector<16xf32>
      %broadcast_in_dim3A_833 = arith.constant 0.000000e+00 : f32
      %broadcast_in_dim3A_834 = vector.broadcast %broadcast_in_dim3A_833 : f32 to vector<16xf32>
      %broadcast_in_dim3A_835 = arith.constant 0.000000e+00 : f32
      %broadcast_in_dim3A_836 = vector.broadcast %broadcast_in_dim3A_835 : f32 to vector<16xf32>
      %broadcast_in_dim3A_837 = arith.constant 0.000000e+00 : f32
      %broadcast_in_dim3A_838 = vector.broadcast %broadcast_in_dim3A_837 : f32 to vector<16xf32>
      %broadcast_in_dim3A_839 = arith.constant 0.000000e+00 : f32
      %broadcast_in_dim3A_840 = vector.broadcast %broadcast_in_dim3A_839 : f32 to vector<16xf32>
      %broadcast_in_dim3A_841 = arith.constant 0.000000e+00 : f32
      %broadcast_in_dim3A_842 = vector.broadcast %broadcast_in_dim3A_841 : f32 to vector<16xf32>
      %broadcast_in_dim3A_843 = arith.constant 0.000000e+00 : f32
      %broadcast_in_dim3A_844 = vector.broadcast %broadcast_in_dim3A_843 : f32 to vector<16xf32>
      %broadcast_in_dim3A_845 = arith.constant 0.000000e+00 : f32
      %broadcast_in_dim3A_846 = vector.broadcast %broadcast_in_dim3A_845 : f32 to vector<16xf32>
      %scan3A_847 = arith.constant 1 : i32
      %scan3A_848 = arith.constant 1 : i32
      %scan3A_849 = arith.constant 0 : i32
      %scan3A_850 = arith.constant 64 : i32
      %scan3A_851 = arith.addi %scan3A_849, %scan3A_850 : i32
      %scan3A_852 = arith.constant 1 : i32
      %scan3A_853:8 = scf.for %scan3A_911 = %scan3A_849 to %scan3A_851 step %scan3A_852 iter_args(%scan3A_912 = %broadcast_in_dim3A_832, %scan3A_913 = %broadcast_in_dim3A_834, %scan3A_914 = %broadcast_in_dim3A_836, %scan3A_915 = %broadcast_in_dim3A_838, %scan3A_916 = %broadcast_in_dim3A_840, %scan3A_917 = %broadcast_in_dim3A_842, %scan3A_918 = %broadcast_in_dim3A_844, %scan3A_919 = %broadcast_in_dim3A_846) -> (vector<16xf32>, vector<16xf32>, vector<16xf32>, vector<16xf32>, vector<16xf32>, vector<16xf32>, vector<16xf32>, vector<16xf32>)  : i32 {
        %broadcast_in_dim3A_920 = vector.broadcast %scan3A_911 : i32 to vector<16xi32>
        %gather3A = arith.constant 0 : i32
        %gather3A_921 = arith.constant 0 : i32
        %gather3A_922 = tpu.memref_slice %arg10[%scan3A_847, %gather3A, %gather3A_921] : memref<2x16x64xf32, #tpu.memory_space<vmem>> -> memref<1x16x64xf32, #tpu.memory_space<vmem>>
        %gather3A_923 = tpu.memref_squeeze %gather3A_922 : memref<1x16x64xf32, #tpu.memory_space<vmem>> -> memref<16x64xf32, #tpu.memory_space<vmem>>
        %gather3A_924 = tpu.vector_load_idx %gather3A_923[%iota3A, %broadcast_in_dim3A_920] : memref<16x64xf32, #tpu.memory_space<vmem>>[vector<16xi32>, vector<16xi32>], vector<16xf32>,
        %gather3A_925 = arith.constant 0 : i32
        %gather3A_926 = arith.constant 0 : i32
        %gather3A_927 = tpu.memref_slice %arg12[%scan3A_848, %gather3A_925, %gather3A_926] : memref<2x320x64xf32, #tpu.memory_space<vmem>> -> memref<1x320x64xf32, #tpu.memory_space<vmem>>
        %gather3A_928 = tpu.memref_squeeze %gather3A_927 : memref<1x320x64xf32, #tpu.memory_space<vmem>> -> memref<320x64xf32, #tpu.memory_space<vmem>>
        %gather3A_929 = tpu.vector_load_idx %gather3A_928[%add3A_637, %broadcast_in_dim3A_920] : memref<320x64xf32, #tpu.memory_space<vmem>>[vector<16xi32>, vector<16xi32>], vector<16xf32>,
        %mul3A_930 = arith.mulf %gather3A_924, %gather3A_929 : vector<16xf32>
        %add3A_931 = arith.addf %scan3A_912, %mul3A_930 : vector<16xf32>
        %gather3A_932 = arith.constant 0 : i32
        %gather3A_933 = arith.constant 0 : i32
        %gather3A_934 = tpu.memref_slice %arg12[%scan3A_848, %gather3A_932, %gather3A_933] : memref<2x320x64xf32, #tpu.memory_space<vmem>> -> memref<1x320x64xf32, #tpu.memory_space<vmem>>
        %gather3A_935 = tpu.memref_squeeze %gather3A_934 : memref<1x320x64xf32, #tpu.memory_space<vmem>> -> memref<320x64xf32, #tpu.memory_space<vmem>>
        %gather3A_936 = tpu.vector_load_idx %gather3A_935[%add3A_643, %broadcast_in_dim3A_920] : memref<320x64xf32, #tpu.memory_space<vmem>>[vector<16xi32>, vector<16xi32>], vector<16xf32>,
        %mul3A_937 = arith.mulf %gather3A_924, %gather3A_936 : vector<16xf32>
        %add3A_938 = arith.addf %scan3A_913, %mul3A_937 : vector<16xf32>
        %gather3A_939 = arith.constant 0 : i32
        %gather3A_940 = arith.constant 0 : i32
        %gather3A_941 = tpu.memref_slice %arg12[%scan3A_848, %gather3A_939, %gather3A_940] : memref<2x320x64xf32, #tpu.memory_space<vmem>> -> memref<1x320x64xf32, #tpu.memory_space<vmem>>
        %gather3A_942 = tpu.memref_squeeze %gather3A_941 : memref<1x320x64xf32, #tpu.memory_space<vmem>> -> memref<320x64xf32, #tpu.memory_space<vmem>>
        %gather3A_943 = tpu.vector_load_idx %gather3A_942[%add3A_649, %broadcast_in_dim3A_920] : memref<320x64xf32, #tpu.memory_space<vmem>>[vector<16xi32>, vector<16xi32>], vector<16xf32>,
        %mul3A_944 = arith.mulf %gather3A_924, %gather3A_943 : vector<16xf32>
        %add3A_945 = arith.addf %scan3A_914, %mul3A_944 : vector<16xf32>
        %gather3A_946 = arith.constant 0 : i32
        %gather3A_947 = arith.constant 0 : i32
        %gather3A_948 = tpu.memref_slice %arg12[%scan3A_848, %gather3A_946, %gather3A_947] : memref<2x320x64xf32, #tpu.memory_space<vmem>> -> memref<1x320x64xf32, #tpu.memory_space<vmem>>
        %gather3A_949 = tpu.memref_squeeze %gather3A_948 : memref<1x320x64xf32, #tpu.memory_space<vmem>> -> memref<320x64xf32, #tpu.memory_space<vmem>>
        %gather3A_950 = tpu.vector_load_idx %gather3A_949[%add3A_655, %broadcast_in_dim3A_920] : memref<320x64xf32, #tpu.memory_space<vmem>>[vector<16xi32>, vector<16xi32>], vector<16xf32>,
        %mul3A_951 = arith.mulf %gather3A_924, %gather3A_950 : vector<16xf32>
        %add3A_952 = arith.addf %scan3A_915, %mul3A_951 : vector<16xf32>
        %gather3A_953 = arith.constant 0 : i32
        %gather3A_954 = arith.constant 0 : i32
        %gather3A_955 = tpu.memref_slice %arg12[%scan3A_848, %gather3A_953, %gather3A_954] : memref<2x320x64xf32, #tpu.memory_space<vmem>> -> memref<1x320x64xf32, #tpu.memory_space<vmem>>
        %gather3A_956 = tpu.memref_squeeze %gather3A_955 : memref<1x320x64xf32, #tpu.memory_space<vmem>> -> memref<320x64xf32, #tpu.memory_space<vmem>>
        %gather3A_957 = tpu.vector_load_idx %gather3A_956[%add3A_661, %broadcast_in_dim3A_920] : memref<320x64xf32, #tpu.memory_space<vmem>>[vector<16xi32>, vector<16xi32>], vector<16xf32>,
        %mul3A_958 = arith.mulf %gather3A_924, %gather3A_957 : vector<16xf32>
        %add3A_959 = arith.addf %scan3A_916, %mul3A_958 : vector<16xf32>
        %gather3A_960 = arith.constant 0 : i32
        %gather3A_961 = arith.constant 0 : i32
        %gather3A_962 = tpu.memref_slice %arg12[%scan3A_848, %gather3A_960, %gather3A_961] : memref<2x320x64xf32, #tpu.memory_space<vmem>> -> memref<1x320x64xf32, #tpu.memory_space<vmem>>
        %gather3A_963 = tpu.memref_squeeze %gather3A_962 : memref<1x320x64xf32, #tpu.memory_space<vmem>> -> memref<320x64xf32, #tpu.memory_space<vmem>>
        %gather3A_964 = tpu.vector_load_idx %gather3A_963[%add3A_667, %broadcast_in_dim3A_920] : memref<320x64xf32, #tpu.memory_space<vmem>>[vector<16xi32>, vector<16xi32>], vector<16xf32>,
        %mul3A_965 = arith.mulf %gather3A_924, %gather3A_964 : vector<16xf32>
        %add3A_966 = arith.addf %scan3A_917, %mul3A_965 : vector<16xf32>
        %gather3A_967 = arith.constant 0 : i32
        %gather3A_968 = arith.constant 0 : i32
        %gather3A_969 = tpu.memref_slice %arg12[%scan3A_848, %gather3A_967, %gather3A_968] : memref<2x320x64xf32, #tpu.memory_space<vmem>> -> memref<1x320x64xf32, #tpu.memory_space<vmem>>
        %gather3A_970 = tpu.memref_squeeze %gather3A_969 : memref<1x320x64xf32, #tpu.memory_space<vmem>> -> memref<320x64xf32, #tpu.memory_space<vmem>>
        %gather3A_971 = tpu.vector_load_idx %gather3A_970[%add3A_673, %broadcast_in_dim3A_920] : memref<320x64xf32, #tpu.memory_space<vmem>>[vector<16xi32>, vector<16xi32>], vector<16xf32>,
        %mul3A_972 = arith.mulf %gather3A_924, %gather3A_971 : vector<16xf32>
        %add3A_973 = arith.addf %scan3A_918, %mul3A_972 : vector<16xf32>
        %gather3A_974 = arith.constant 0 : i32
        %gather3A_975 = arith.constant 0 : i32
        %gather3A_976 = tpu.memref_slice %arg12[%scan3A_848, %gather3A_974, %gather3A_975] : memref<2x320x64xf32, #tpu.memory_space<vmem>> -> memref<1x320x64xf32, #tpu.memory_space<vmem>>
        %gather3A_977 = tpu.memref_squeeze %gather3A_976 : memref<1x320x64xf32, #tpu.memory_space<vmem>> -> memref<320x64xf32, #tpu.memory_space<vmem>>
        %gather3A_978 = tpu.vector_load_idx %gather3A_977[%add3A_679, %broadcast_in_dim3A_920] : memref<320x64xf32, #tpu.memory_space<vmem>>[vector<16xi32>, vector<16xi32>], vector<16xf32>,
        %mul3A_979 = arith.mulf %gather3A_924, %gather3A_978 : vector<16xf32>
        %add3A_980 = arith.addf %scan3A_919, %mul3A_979 : vector<16xf32>
        scf.yield %add3A_931, %add3A_938, %add3A_945, %add3A_952, %add3A_959, %add3A_966, %add3A_973, %add3A_980 : vector<16xf32>, vector<16xf32>, vector<16xf32>, vector<16xf32>, vector<16xf32>, vector<16xf32>, vector<16xf32>, vector<16xf32>
      }
      %scan3A_854 = arith.constant 64 : i32
      %neg3A_855 = arith.constant 0.000000e+00 : f32
      %neg3A_856 = vector.broadcast %neg3A_855 : f32 to vector<16xf32>
      %neg3A_857 = arith.subf %neg3A_856, %scan3A_853#0 : vector<16xf32>
      %swap3A_858 = arith.constant 16 : i32
      %swap3A_859 = arith.index_cast %swap3A_858 : i32 to index
      %swap3A_860 = arith.index_cast %mul3A_681 : i32 to index
      %swap3A_861 = tpu.vector_load %arg13[%swap3A_859, %swap3A_860] {strides = array<i32>} : memref<24x512xf32, #tpu.memory_space<vmem>>, vector<16xf32>,
      tpu.vector_store %arg13[%swap3A_859, %swap3A_860], %neg3A_857 {strides = array<i32>} : memref<24x512xf32, #tpu.memory_space<vmem>>, vector<16xf32>,
      %neg3A_862 = arith.constant 0.000000e+00 : f32
      %neg3A_863 = vector.broadcast %neg3A_862 : f32 to vector<16xf32>
      %neg3A_864 = arith.subf %neg3A_863, %scan3A_853#1 : vector<16xf32>
      %swap3A_865 = arith.constant 17 : i32
      %swap3A_866 = arith.index_cast %swap3A_865 : i32 to index
      %swap3A_867 = arith.index_cast %mul3A_681 : i32 to index
      %swap3A_868 = tpu.vector_load %arg13[%swap3A_866, %swap3A_867] {strides = array<i32>} : memref<24x512xf32, #tpu.memory_space<vmem>>, vector<16xf32>,
      tpu.vector_store %arg13[%swap3A_866, %swap3A_867], %neg3A_864 {strides = array<i32>} : memref<24x512xf32, #tpu.memory_space<vmem>>, vector<16xf32>,
      %neg3A_869 = arith.constant 0.000000e+00 : f32
      %neg3A_870 = vector.broadcast %neg3A_869 : f32 to vector<16xf32>
      %neg3A_871 = arith.subf %neg3A_870, %scan3A_853#2 : vector<16xf32>
      %swap3A_872 = arith.constant 18 : i32
      %swap3A_873 = arith.index_cast %swap3A_872 : i32 to index
      %swap3A_874 = arith.index_cast %mul3A_681 : i32 to index
      %swap3A_875 = tpu.vector_load %arg13[%swap3A_873, %swap3A_874] {strides = array<i32>} : memref<24x512xf32, #tpu.memory_space<vmem>>, vector<16xf32>,
      tpu.vector_store %arg13[%swap3A_873, %swap3A_874], %neg3A_871 {strides = array<i32>} : memref<24x512xf32, #tpu.memory_space<vmem>>, vector<16xf32>,
      %neg3A_876 = arith.constant 0.000000e+00 : f32
      %neg3A_877 = vector.broadcast %neg3A_876 : f32 to vector<16xf32>
      %neg3A_878 = arith.subf %neg3A_877, %scan3A_853#3 : vector<16xf32>
      %swap3A_879 = arith.constant 19 : i32
      %swap3A_880 = arith.index_cast %swap3A_879 : i32 to index
      %swap3A_881 = arith.index_cast %mul3A_681 : i32 to index
      %swap3A_882 = tpu.vector_load %arg13[%swap3A_880, %swap3A_881] {strides = array<i32>} : memref<24x512xf32, #tpu.memory_space<vmem>>, vector<16xf32>,
      tpu.vector_store %arg13[%swap3A_880, %swap3A_881], %neg3A_878 {strides = array<i32>} : memref<24x512xf32, #tpu.memory_space<vmem>>, vector<16xf32>,
      %neg3A_883 = arith.constant 0.000000e+00 : f32
      %neg3A_884 = vector.broadcast %neg3A_883 : f32 to vector<16xf32>
      %neg3A_885 = arith.subf %neg3A_884, %scan3A_853#4 : vector<16xf32>
      %swap3A_886 = arith.constant 20 : i32
      %swap3A_887 = arith.index_cast %swap3A_886 : i32 to index
      %swap3A_888 = arith.index_cast %mul3A_681 : i32 to index
      %swap3A_889 = tpu.vector_load %arg13[%swap3A_887, %swap3A_888] {strides = array<i32>} : memref<24x512xf32, #tpu.memory_space<vmem>>, vector<16xf32>,
      tpu.vector_store %arg13[%swap3A_887, %swap3A_888], %neg3A_885 {strides = array<i32>} : memref<24x512xf32, #tpu.memory_space<vmem>>, vector<16xf32>,
      %neg3A_890 = arith.constant 0.000000e+00 : f32
      %neg3A_891 = vector.broadcast %neg3A_890 : f32 to vector<16xf32>
      %neg3A_892 = arith.subf %neg3A_891, %scan3A_853#5 : vector<16xf32>
      %swap3A_893 = arith.constant 21 : i32
      %swap3A_894 = arith.index_cast %swap3A_893 : i32 to index
      %swap3A_895 = arith.index_cast %mul3A_681 : i32 to index
      %swap3A_896 = tpu.vector_load %arg13[%swap3A_894, %swap3A_895] {strides = array<i32>} : memref<24x512xf32, #tpu.memory_space<vmem>>, vector<16xf32>,
      tpu.vector_store %arg13[%swap3A_894, %swap3A_895], %neg3A_892 {strides = array<i32>} : memref<24x512xf32, #tpu.memory_space<vmem>>, vector<16xf32>,
      %neg3A_897 = arith.constant 0.000000e+00 : f32
      %neg3A_898 = vector.broadcast %neg3A_897 : f32 to vector<16xf32>
      %neg3A_899 = arith.subf %neg3A_898, %scan3A_853#6 : vector<16xf32>
      %swap3A_900 = arith.constant 22 : i32
      %swap3A_901 = arith.index_cast %swap3A_900 : i32 to index
      %swap3A_902 = arith.index_cast %mul3A_681 : i32 to index
      %swap3A_903 = tpu.vector_load %arg13[%swap3A_901, %swap3A_902] {strides = array<i32>} : memref<24x512xf32, #tpu.memory_space<vmem>>, vector<16xf32>,
      tpu.vector_store %arg13[%swap3A_901, %swap3A_902], %neg3A_899 {strides = array<i32>} : memref<24x512xf32, #tpu.memory_space<vmem>>, vector<16xf32>,
      %neg3A_904 = arith.constant 0.000000e+00 : f32
      %neg3A_905 = vector.broadcast %neg3A_904 : f32 to vector<16xf32>
      %neg3A_906 = arith.subf %neg3A_905, %scan3A_853#7 : vector<16xf32>
      %swap3A_907 = arith.constant 23 : i32
      %swap3A_908 = arith.index_cast %swap3A_907 : i32 to index
      %swap3A_909 = arith.index_cast %mul3A_681 : i32 to index
      %swap3A_910 = tpu.vector_load %arg13[%swap3A_908, %swap3A_909] {strides = array<i32>} : memref<24x512xf32, #tpu.memory_space<vmem>>, vector<16xf32>,
      tpu.vector_store %arg13[%swap3A_908, %swap3A_909], %neg3A_906 {strides = array<i32>} : memref<24x512xf32, #tpu.memory_space<vmem>>, vector<16xf32>,
    }
    %scan3A_40 = arith.constant 16 : i32
    "tpu.region"() ({
      %run_scoped3A = tpu.sem_alloc : memref<!tpu.dma_semaphore, #tpu.memory_space<semaphore_mem>>
      %dma_start3A_41 = arith.constant 0 : i32
      %dma_start3A_42 = tpu.memref_slice %arg6[%dma_start3A_41, %mul3A_2] : memref<24x16384xf32, #tpu.memory_space<hbm>> -> memref<24x512xf32, #tpu.memory_space<hbm>>
      %dma_start3A_43 = arith.constant 0 : i32
      %dma_start3A_44 = tpu.memref_slice %arg6[%dma_start3A_43, %mul3A_2] : memref<24x16384xf32, #tpu.memory_space<hbm>> -> memref<24x512xf32, #tpu.memory_space<hbm>>
      tpu.enqueue_dma source(%arg13 : memref<24x512xf32, #tpu.memory_space<vmem>>) target(%dma_start3A_44 : memref<24x512xf32, #tpu.memory_space<hbm>>) target_semaphore(%run_scoped3A : memref<!tpu.dma_semaphore, #tpu.memory_space<semaphore_mem>>)
      %dma_wait3A = arith.constant 0 : i32
      %dma_wait3A_45 = tpu.memref_slice %arg6[%dma_wait3A, %mul3A_2] : memref<24x16384xf32, #tpu.memory_space<hbm>> -> memref<24x512xf32, #tpu.memory_space<hbm>>
      %dma_wait3A_46 = arith.constant 0 : i32
      %dma_wait3A_47 = tpu.memref_slice %arg6[%dma_wait3A_46, %mul3A_2] : memref<24x16384xf32, #tpu.memory_space<hbm>> -> memref<24x512xf32, #tpu.memory_space<hbm>>
      tpu.wait_dma2 semaphore(%run_scoped3A : memref<!tpu.dma_semaphore, #tpu.memory_space<semaphore_mem>>) src(%arg13 : memref<24x512xf32, #tpu.memory_space<vmem>>) dst(%dma_wait3A_47 : memref<24x512xf32, #tpu.memory_space<hbm>>)
      tpu.yield
    }) : () -> ()
    return
  }
}

module attributes {stable_mosaic.version = 14 : i64} {
  func.func @body(%arg0: i32, %arg1: memref<24x2048xf32, #tpu.memory_space<vmem>>, %arg2: memref<2048xf32, #tpu.memory_space<vmem>>) attributes {dimension_semantics = [#tpu.dimension_semantics<arbitrary>], iteration_bounds = array<i64: 8>, scalar_prefetch = 0 : i64, scratch_operands = 0 : i64, tpu.core_type = #tpu.core_type<tc>, window_params = [{transform_indices = @transform_0, window_bounds = array<i64: 24, 2048>}, {transform_indices = @transform_1, window_bounds = array<i64: 2048>}]} {
    %get3A = arith.constant 0 : index
    %get3A_0 = arith.constant 0 : index
    %get3A_1 = vector.load %arg1[%get3A, %get3A_0] : memref<24x2048xf32, #tpu.memory_space<vmem>>, vector<24x2048xf32>
    %min3A = arith.constant 0.000000e+00 : f32
    %min3A_2 = vector.broadcast %min3A : f32 to vector<24x2048xf32>
    %min3A_3 = arith.minimumf %get3A_1, %min3A_2 : vector<24x2048xf32>
    %abs3A = math.absf %get3A_1 : vector<24x2048xf32>
    %neg3A = arith.constant 0.000000e+00 : f32
    %neg3A_4 = vector.broadcast %neg3A : f32 to vector<24x2048xf32>
    %neg3A_5 = arith.subf %neg3A_4, %abs3A : vector<24x2048xf32>
    %exp3A = math.exp %neg3A_5 : vector<24x2048xf32>
    %log1p3A = math.log1p %exp3A : vector<24x2048xf32>
    %sub3A = arith.subf %min3A_3, %log1p3A : vector<24x2048xf32>
    %reduce_sum3A = arith.constant dense<0.000000e+00> : vector<2048xf32>
    %reduce_sum3A_6 = vector.multi_reduction <add>, %sub3A, %reduce_sum3A [0] : vector<24x2048xf32> to vector<2048xf32>
    %neg3A_7 = arith.constant 0.000000e+00 : f32
    %neg3A_8 = vector.broadcast %neg3A_7 : f32 to vector<2048xf32>
    %neg3A_9 = arith.subf %neg3A_8, %reduce_sum3A_6 : vector<2048xf32>
    %swap3A = arith.constant 0 : index
    %swap3A_10 = vector.load %arg2[%swap3A] : memref<2048xf32, #tpu.memory_space<vmem>>, vector<2048xf32>
    tpu.vector_store %arg2[%swap3A], %neg3A_9 {strides = array<i32>} : memref<2048xf32, #tpu.memory_space<vmem>>, vector<2048xf32>,
    return
  }
  func.func @transform_0(%arg0: i32) -> (i32, i32) {
    %c0_i32 = arith.constant 0 : i32
    %c0_i32_0 = arith.constant 0 : i32
    return %c0_i32, %arg0 : i32, i32
  }
  func.func @transform_1(%arg0: i32) -> i32 {
    %c0_i32 = arith.constant 0 : i32
    return %arg0 : i32
  }
}

</mosaic_0001>

<sc_bundles>
// kernel: kernel.4.cloned.1.call-start
scs
__scs_entry_jumppad:
0x0: {  	(pc) =	sbr.rel $0x88, $3  }
0x1: {  	(tag) =	ssettag $0x0;
	lr =	simm.s32 $0x1  }
0x2: {  	[smem:$0x3F9D] =	sst lr;
	_ =	strace $0xD0000000  }
0x3: {  	_ = 	snop  }
0x4: {  	_ = 	snop  }
0x5: {  	_ = 	snop  }
0x6: {  	_ = 	snop  }
0x7: {  	_ = 	snop  }
__scs_overlays_trampoline_lowered:
0x8: {  	[smem:$0x3FAC] =	sst s0  }
0x9: {  	[smem:$0x3FAD] =	sst s1  }
0xa: {  	[smem:$0x3FAE] =	sst s2  }
0xb: {  	[smem:$0x3FAF] =	sst s3  }
0xc: {  	[smem:$0x3FB0] =	sst s4  }
0xd: {  	[smem:$0x3FB1] =	sst s5  }
0xe: {  	[smem:$0x3FB2] =	sst s6  }
0xf: {  	[smem:$0x3FB3] =	sst s7  }
0x10: {  	[smem:$0x3FB4] =	sst s8  }
0x11: {  	[smem:$0x3FB5] =	sst s9;
	s0 =	simm.s32 @!p0 $0x0  }
0x12: {  	s1 =	sld [smem:$0x3F9B];
	s0 =	simm.s32 @p0 $0x1  }
0x13: {  	[smem:$0x3FB6] =	sst s0;
	s0 =	simm.s32 @!p1 $0x0  }
0x14: {  	s2 =	sld [smem:$0x3F9A];
	s0 =	simm.s32 @p1 $0x1  }
0x15: {  	[smem:$0x3FB7] =	sst s0;
	s0 =	simm.s32 @!p2 $0x0  }
0x16: {  	s3 =	sld [smem:$0x3FDB];
	s0 =	simm.s32 @p2 $0x1  }
0x17: {  	s4 =	simm.s32 $0x1BF5;
	[smem:$0x3FB9] =	sst s0  }
0x18: {  	s0 =	sld [smem:$0x3F9C];
	_ =	swait.ge [sflag:s4], $0x0  }
0x19: {  	s7 =	sld [smem:$0x3F9D]  }
0x1a: {  	s8 =	sadd.s32 $0xFFFFE003, lr  }
0x1b: {  	s9 =	sadd.s32 $0xFFFFFEF7, lr;
	s5 =	simm.s32 $0xFFFFFFFF;
	p2 =	slt.u32 s8, $0xFFFFF086  }
0x1c: {  	p1 =	slt.u32 s9, $0xF7A;
	s5 =	simm.s32 @!p2 $0x0  }
0x1d: {  	s5 =	simm.s32 @p1 $0x1;
	p0 =	seq.s32 s7, s2  }
0x1e: {  	s7 =	smul.u32 @!p0 $0xF7A, s2;
	p2 =	seq.s32 @!p0 s5, $0x0  }
0x1f: {  	s9 =	smul.u32 $0xF7A, s1;
	s8 =	simm.s32 @!p0 $0x1BF5;
	p2 =	por !p2, p0  }
0x20: {  	[sflag:s8] =	ssyncset.s32 @!p0 $0xFFFFF086;
	s6 =	sadd.s32 @!p0 s3, s7;
	s7 =	simm.s32 @!p0 $0x108  }
0x21: {  	s3 =	sadd.s32 s3, s9;
	s6 =	sadd.s32 @!p0 $0x88, s6;
	s7 =	simm.s32 @p2 $0x1082  }
0x22: {  	[simem:s7], [sflag:s8] =	dma.local @!p0 [hbm:s6], $0xF7A  }
0x23: {  	s9 =	sor.u32 $0xD0000000, s2;
	s6 =	simm.s32 $0x108;
	_ =	swait.ge @!p0 [sflag:s8], $0x0  }
0x24: {  	s3 =	sadd.s32 $0x88, s3;
	s6 =	simm.s32 @!p1 $0x1082;
	[sflag:s4] =	ssyncset.s32 $0xFFFFF086  }
0x25: {  	[simem:s6], [sflag:s4] =	dma.local [hbm:s3], $0xF7A  }
0x26: {  	[smem:$0x3F9D] =	sst s1;
	(tag) =	ssettag s2;
	_ =	strace s9  }
0x27: {  	s1 =	sld [smem:$0x3FAD]  }
0x28: {  	s2 =	sld [smem:$0x3FAE]  }
0x29: {  	s4 =	sld [smem:$0x3FB0]  }
0x2a: {  	p0 =	seq.s32 s5, $0x0;
	s5 =	sld [smem:$0x3FB1]  }
0x2b: {  	s6 =	sld [smem:$0x3FB2]  }
0x2c: {  	s7 =	sld [smem:$0x3FB3]  }
0x2d: {  	s3 =	simm.s32 $0x108;
	s8 =	sld [smem:$0x3FB4]  }
0x2e: {  	s3 =	simm.s32 @!p0 $0x1082;
	s9 =	sld [smem:$0x3FB5]  }
0x2f: {  	lr =	sadd.s32 s0, s3;
	s0 =	sld [smem:$0x3FAC]  }
0x30: {  	s3 =	sld [smem:$0x3FAF]  }
0x31: {  	[smem:$0x3FB8] =	sst s10  }
0x32: {  	s10 =	sld [smem:$0x3FB6];
	_ =	sdelay $0x3  }
0x33: {  	p0 =	seq.s32 s10, $0x1;
	s10 =	sld [smem:$0x3FB8];
	_ =	sdelay $0x3  }
0x34: {  	[smem:$0x3FB8] =	sst s10  }
0x35: {  	s10 =	sld [smem:$0x3FB7];
	_ =	sdelay $0x3  }
0x36: {  	p1 =	seq.s32 s10, $0x1;
	s10 =	sld [smem:$0x3FB8];
	_ =	sdelay $0x3  }
0x37: {  	[smem:$0x3FB8] =	sst s10  }
0x38: {  	s10 =	sld [smem:$0x3FB9]  }
0x39: {  	_ = 	snop;
	(pc) =	sbr.ind lr, $3  }
0x3a: {  	_ = 	snop  }
0x3b: {  	_ = 	snop  }
0x3c: {  	p2 =	seq.s32 s10, $0x1;
	s10 =	sld [smem:$0x3FB8]  }
0x3d: {  	_ =	shalt  }
0x3e: {  	_ =	shalt  }
0x3f: {  	_ =	shalt  }
0x40: {  	_ =	shalt  }
0x41: {  	_ =	shalt  }
0x42: {  	_ =	shalt  }
0x43: {  	_ =	shalt  }
0x44: {  	_ =	shalt  }
0x45: {  	_ =	shalt  }
0x46: {  	_ =	shalt  }
0x47: {  	_ =	shalt  }
0x48: {  	_ =	shalt  }
0x49: {  	_ =	shalt  }
0x4a: {  	_ =	shalt  }
0x4b: {  	_ =	shalt  }
0x4c: {  	_ =	shalt  }
0x4d: {  	_ =	shalt  }
0x4e: {  	_ =	shalt  }
0x4f: {  	_ =	shalt  }
0x50: {  	_ =	shalt  }
0x51: {  	_ =	shalt  }
0x52: {  	_ =	shalt  }
0x53: {  	_ =	shalt  }
0x54: {  	_ =	shalt  }
0x55: {  	_ =	shalt  }
0x56: {  	_ =	shalt  }
0x57: {  	_ =	shalt  }
0x58: {  	_ =	shalt  }
0x59: {  	_ =	shalt  }
0x5a: {  	_ =	shalt  }
0x5b: {  	_ =	shalt  }
0x5c: {  	_ =	shalt  }
0x5d: {  	_ =	shalt  }
0x5e: {  	_ =	shalt  }
0x5f: {  	_ =	shalt  }
0x60: {  	_ =	shalt  }
0x61: {  	_ =	shalt  }
0x62: {  	_ =	shalt  }
0x63: {  	_ =	shalt  }
0x64: {  	_ =	shalt  }
0x65: {  	_ =	shalt  }
0x66: {  	_ =	shalt  }
0x67: {  	_ =	shalt  }
0x68: {  	_ =	shalt  }
0x69: {  	_ =	shalt  }
0x6a: {  	_ =	shalt  }
0x6b: {  	_ =	shalt  }
0x6c: {  	_ =	shalt  }
0x6d: {  	_ =	shalt  }
0x6e: {  	_ =	shalt  }
0x6f: {  	_ =	shalt  }
0x70: {  	_ =	shalt  }
0x71: {  	_ =	shalt  }
0x72: {  	_ =	shalt  }
0x73: {  	_ =	shalt  }
0x74: {  	_ =	shalt  }
0x75: {  	_ =	shalt  }
0x76: {  	_ =	shalt  }
0x77: {  	_ =	shalt  }
0x78: {  	_ =	shalt  }
0x79: {  	_ =	shalt  }
0x7a: {  	_ =	shalt  }
0x7b: {  	_ =	shalt  }
0x7c: {  	_ =	shalt  }
0x7d: {  	_ =	shalt  }
0x7e: {  	_ =	shalt  }
0x7f: {  	_ =	shalt  }
0x80: {  	_ =	shalt  }
0x81: {  	_ =	shalt  }
0x82: {  	_ =	shalt  }
0x83: {  	_ =	shalt  }
0x84: {  	_ =	shalt  }
0x85: {  	_ =	shalt  }
0x86: {  	_ =	shalt  }
0x87: {  	_ =	shalt  }
.Lfunc_end0:
.L_simem_size_0:
called_computation_lowered:
.L_overlay_start_0:
0x88: {  	s2 =	sld [smem:$0x3FD9]  }
0x89: {  	s3 =	sld [smem:$0x3FFE];
	_ =	sdelay $0x1  }
0x8a: {  	s1 =	srdreg.scid  }
0x8b: {  	s0 =	sand.u32 $0x1, s1  }
0x8c: {  	s17 =	sshll.u32 s0, $0xA;
	s2 =	sadd.s32 s3, s2  }
0x8d: {  	s2 =	sadd.s32 s2, s17  }
0x8e: {  	[smem:$0x3FC4] =	sst s2  }
0x8f: {  	_ = 	snop  }
0x90: {  	s2 =	sld [smem:$0x3FC9];
	(tm) =	ssettm $0x1  }
0x91: {  	s18 =	sld [smem:$0x3FFB];
	_ =	sdelay $0x3  }
0x92: {  	_ =	strace s18  }
0x93: {  	s3 =	sld [smem:$0x3FFC];
	_ =	sdelay $0x3  }
0x94: {  	_ =	strace s3  }
0x95: {  	s3 =	sld [smem:$0x3FFD];
	_ =	sdelay $0x3  }
0x96: {  	_ =	strace s3  }
0x97: {  	_ =	strace $0x8FFFFFFF  }
0x98: {  	s19 =	sld [smem:$0x3FDB];
	_ =	sdelay $0x1  }
0x99: {  	s4 =	simm.s32 $_scs_section_size  }
0x9a: {  	s5 =	simm.s32 $_size__tile_overlayer_lowered;
	s6 =	simm.s32 $_tile_overlayer_lowered  }
0x9b: {  	s22 =	simm.s32 $0x1BFF;
	s21 =	sshll.u32 s6, $0x1;
	s3 =	sadd.s32 s4, s19  }
0x9c: {  	s7 =	simm.s32 $0x0;
	s20 =	sshll.u32 s5, $0x1;
	s5 =	sadd.s32 s21, s3  }
0x9d: {  	[timem:s7], [sflag:s22] =	dma.local [hbm:s5], s20  }
0x9e: {  	_ =	swait.ge [sflag:s22], s20  }
0x9f: {  	s4 =	ssub.s32 $0x0, s20;
	[sflag:s22] =	ssyncset.done $0x0  }
0xa0: {  	[sflag:s22] =	ssyncadd.s32 s4;
	_ =	sdelay $0x1  }
0xa1: {  	s23 =	simm.s32 $0x1B8B  }
0xa2: {  	_ =	swait.ge [sflag:s23], $0x1  }
0xa3: {  	[sflag:s23] =	ssyncset.done $0x0  }
0xa4: {  	s25 =	simm.s32 $0x1B8E;
	s24 =	sld [smem:$0x3FFE];
	[sflag:s23] =	ssyncadd.s32 $0xFFFFFFFF  }
0xa5: {  	s26 =	simm.s32 $execute0_lowered;
	[smem:$0x3FD2] =	sst s25  }
0xa6: {  	s5 =	sshll.u32 s26, $0x1;
	_ =	strace $0x80000046;
	[dreg:$0x1] =	wrdreg $0xFFFFFFFF  }
0xa7: {  	s28 =	simm.s32 $_size_execute0_lowered;
	s3 =	sadd.s32 s3, s5;
	[dreg:$0x0] =	wrdreg $0x0  }
0xa8: {  	s5 =	sshll.u32 s28, $0x1;
	[dreg:$0x2] =	wrdreg s3  }
0xa9: {  	[dreg:$0x3] =	wrdreg s5  }
0xaa: {  	[dreg:$0x4] =	wrdreg $0xC0  }
0xab: {  	_ =	task [dreg:s7], $0x5FFFF  }
0xac: {  	[dreg:$0x1] =	wrdreg $0xFFFFFFFF  }
0xad: {  	[dreg:$0x0] =	wrdreg $0x60  }
0xae: {  	[dreg:$0x2] =	wrdreg s2  }
0xaf: {  	[dreg:$0x3] =	wrdreg s24  }
0xb0: {  	[dreg:$0x4] =	wrdreg $0x9  }
0xb1: {  	_ =	task.clear_ibuf [dreg:s7], $0x5FFFF;
	_ =	strace $0x90000046  }
0xb2: {  	s29 =	simm.s32 $0x9;
	_ =	strace $0x80000048  }
0xb3: {  	_ =	swait.ge [sflag:s29], $0x1  }
0xb4: {  	[sflag:s29] =	ssyncadd.s32 $0xFFFFFFFF  }
0xb5: {  	_ =	strace $0x90000048  }
0xb6: {  	_ =	sfence  }
0xb7: {  	s30 =	sld [smem:$0x0];
	_ =	sdelay $0x2  }
0xb8: {  	s31 =	sshll.u32 s1, $0xD;
	s1 =	sshrl.u32 s1, $0x2  }
0xb9: {  	s3 =	sand.u32 $0x4000, s31;
	s1 =	sadd.s32 s1, s30  }
0xba: {  	s0 =	sor.u32 s3, s0;
	s1 =	sshll.u32 s1, $0x11  }
0xbb: {  	s0 =	sor.u32 s1, s0  }
0xbc: {  	s0 =	sadd.s32 $0x8F2B, s0  }
0xbd: {  	[sflag:s0] =	ssyncadd.remote.s32 $0x1  }
0xbe: {  	_ =	sfence.sel $0xFFFF  }
0xbf: {  	[dreg:$0x0] =	wrdreg $0xFFFFFFFF;
	(pc) =	sbr.abs _section_cstart, $3  }
0xc0: {  	[dreg:$0x1] =	wrdreg $0xFFFFFFFF  }
0xc1: {  	_ =	task.clear_ibuf [dreg:s7], $0x2FFFF;
	_ =	strace $0x9FFFFFFF  }
0xc2: {  	(tm) =	ssettm $0x7FFFFFFF  }
0xc3: {  	_ =	shalt  }
tec
execute0_lowered:
.L_overlay_start_1:
0x0: {  	(tag) =	ssettag $0x1  }
0x1: {  	s4 =	rddreg [dreg:$0x0]  }
0x2: {  	s1 =	srdreg.scid;
	s0 =	stileid.u32  }
0x3: {  	s5 =	rddreg [dreg:$0x1];
	s2 =	simm.s32 $0x0;
	s12 =	simm.s32 $0x10  }
0x4: {  	s13 =	simm.s32 $0x3200;
	s14 =	simm.s32 $0x40;
	s15 =	simm.s32 $0x3A00  }
0x5: {  	v2 =	vlaneseq.u32;
	s16 =	simm.s32 $0x140;
	s17 =	simm.s32 $0x5A00;
	s18 =	simm.s32 $0x3600  }
0x6: {  	s19 =	simm.s32 $0x4A00;
	s20 =	simm.s32 $0xAA00;
	s21 =	simm.s32 $0x1;
	v0 =	vmul.u32 $0x100, v2  }
0x7: {  	s22 =	simm.s32 $0x2;
	s23 =	simm.s32 $0x4000;
	s24 =	simm.s32 $0xFA00;
	v1 =	vmul.u32 $0x500, v2  }
0x8: {  	s3 =	sand.u32 $0x1, s1;
	s6 =	sshll.u32 s0, $0x1;
	[smem:$0x7FF] =	sst s2;
	v2 =	vmul.u32 $0x40, v2;
	v3 =	vor.u32 $0x40, v0  }
0x9: {  	s25 =	simm.s32 $0x0;
	s6 =	sor.u32 s3, s6;
	_ =	strace $0x80000047;
	v4 =	vor.u32 $0x80, v0;
	v5 =	vor.u32 $0xC0, v0;
	v6 =	vor.u32 $0x40, v1  }
0xa: {  	s9 =	ssub.s32 $0x2, s3;
	s3 =	sadd.s32 $0xF42C00, s5;
	s7 =	smul.u32 $0x500, s6;
	v7 =	vor.u32 $0x80, v1;
	v8 =	vor.u32 $0xC0, v1;
	v9 =	vadd.s32 $0x100, v1  }
0xb: {  	s8 =	sshll.u32 s6, $0x8;
	s6 =	sshll.u32 s6, $0x6;
	s10 =	sshrl.u32 s9, $0x1;
	v10 =	vadd.s32 $0x140, v1;
	v11 =	vadd.s32 $0x180, v1;
	v12 =	vadd.s32 $0x1C0, v1  }
0xc: {  	v13 =	vadd.s32 $0x200, v1;
	v14 =	vadd.s32 $0x240, v1;
	v15 =	vadd.s32 $0x280, v1;
	s8 =	sadd.s32 s8, s5;
	s11 =	sadd.s32 s6, s5;
	s9 =	ssub.s32 s9, s10  }
0xd: {  	v16 =	vadd.s32 $0x2C0, v1;
	v17 =	vadd.s32 $0x300, v1;
	v18 =	vadd.s32 $0x340, v1;
	s4 =	sadd.s32 s4, s6;
	s10 =	simm.s32 $0x200;
	s7 =	sadd.s32 s7, s5  }
0xe: {  	v19 =	vadd.s32 $0x380, v1;
	v20 =	vadd.s32 $0x3C0, v1;
	v21 =	vadd.s32 $0x400, v1;
	s5 =	sadd.s32 $0xA800, s8;
	s8 =	smax.u32 s9, $0x1;
	s9 =	simm.s32 $0x3  }
0xf: {  	v22 =	vadd.s32 $0x440, v1;
	v23 =	vadd.s32 $0x480, v1;
	v24 =	vadd.s32 $0x4C0, v1;
	s6 =	sadd.s32 $0x800, s7;
	s7 =	sadd.s32 $0xC800, s11;
	s11 =	simm.s32 $0xA00  }
.LBB2_1:
0x10: {  	[tilespmem:s2], [sflag:$0x3] =	stream.linear.gather [hbm4b:s4+s2], $0x200, $0x38;
	[tilespmem:$0x12A00] =	vst v63  }
0x11: {  	_ =	swait.ge [sflag:s9], $0x200  }
0x12: {  	[sflag:s9] =	ssyncset.done $0x0  }
0x13: {  	[sflag:s9] =	ssyncadd.s32 $0xFFFFFE00  }
0x14: {  	[tilespmem:s10], [sflag:$0x3] =	stream.linear.gather [hbm4b:s5+s2], $0x800, $0x38;
	[tilespmem:$0x12A00] =	vst v63  }
0x15: {  	_ =	swait.ge [sflag:s9], $0x800  }
0x16: {  	[sflag:s9] =	ssyncset.done $0x0  }
0x17: {  	[sflag:s9] =	ssyncadd.s32 $0xFFFFF800  }
0x18: {  	[tilespmem:s11], [sflag:$0x3] =	stream.linear.gather [hbm4b:s6+s2], $0x2800, $0x38;
	[tilespmem:$0x12A00] =	vst v63  }
0x19: {  	_ =	swait.ge [sflag:s9], $0x2800  }
0x1a: {  	[sflag:s9] =	ssyncset.done $0x0  }
0x1b: {  	[sflag:s9] =	ssyncadd.s32 $0xFFFFD800  }
0x1c: {  	[tilespmem:s13], [sflag:$0x1] =	stream.indirect.gather [hbm4b:s3+s12], $0x40, s2, s12, $0xb8;
	[tilespmem:$0x12A00] =	vst v63  }
0x1d: {  	_ = 	snop  }
0x1e: {  	[tilespmem:s15], [sflag:$0x1] =	stream.indirect.gather [hbm4b:s3+s14], $0x40, s10, s14, $0xb8;
	[tilespmem:$0x12A00] =	vst v63  }
0x1f: {  	s26 =	simm.s32 $0x0  }
0x20: {  	[tilespmem:s17], [sflag:$0x1] =	stream.indirect.gather [hbm4b:s3+s16], $0x40, s11, s16, $0xb8;
	[tilespmem:$0x12A00] =	vst v63  }
.LBB2_2:
0x21: {  	s29 =	sshllo.u32 s26, $0x1  }
0x22: {  	s28 =	sshll.u32 s29, $0x4;
	s30 =	sshll.u32 s29, $0x6;
	s29 =	smul.u32 $0x500, s29  }
0x23: {  	[tilespmem:s18], [sflag:$0x2] =	stream.indirect.gather [hbm4b:s3+s12], $0x40, s28, s12, $0xb8;
	[tilespmem:$0x12A00] =	vst v63  }
0x24: {  	s30 =	sand.u32 $0x3FFFFFC0, s30  }
0x25: {  	s30 =	sadd.s32 $0x200, s30;
	s29 =	sshra.s32 s29, $0x2  }
0x26: {  	[tilespmem:s19], [sflag:$0x2] =	stream.indirect.gather [hbm4b:s3+s14], $0x40, s30, s14, $0xb8;
	[tilespmem:$0x12A00] =	vst v63  }
0x27: {  	s29 =	sadd.s32 $0xA00, s29  }
0x28: {  	[tilespmem:s20], [sflag:$0x2] =	stream.indirect.gather [hbm4b:s3+s16], $0x40, s29, s16, $0xb8;
	[tilespmem:$0x12A00] =	vst v63  }
0x29: {  	s29 =	simm.s32 $0x0  }
0x2a: {  	_ =	swait.ge [sflag:s21], $0x400;
	v25 =	vmov s29  }
0x2b: {  	[sflag:s21] =	ssyncset.done $0x0;
	v25 =	vand.u32 $0x3F, v25  }
0x2c: {  	[sflag:s21] =	ssyncadd.s32 $0xFFFFFC00;
	v25 =	vbroadcast v25, $0x0  }
0x2d: {  	_ =	swait.ge [sflag:s21], $0x1000  }
0x2e: {  	[sflag:s21] =	ssyncset.done $0x0;
	v26 =	vor.u32 v2, v25  }
0x2f: {  	v27 =	vor.u32 v8, v25;
	[sflag:s21] =	ssyncadd.s32 $0xFFFFF000  }
0x30: {  	v28 =	vor.u32 v0, v25;
	_ =	swait.ge [sflag:s21], $0x5000  }
0x31: {  	v29 =	vor.u32 v3, v25;
	[sflag:s21] =	ssyncset.done $0x0  }
0x32: {  	v30 =	vor.u32 v4, v25;
	[sflag:s21] =	ssyncadd.s32 $0xFFFFB000  }
0x33: {  	s29 =	simm.s32 $0x1;
	v32 =	vor.u32 v5, v25;
	v31 =	vld.idx.msk [tilespmem:v26+s13+$0x0], $0xffff  }
0x34: {  	v26 =	vmov s29;
	v27 =	vld.idx.msk [tilespmem:v27+s17+$0x0], $0xffff  }
0x35: {  	v33 =	vor.u32 v1, v25;
	v28 =	vld.idx.msk [tilespmem:v28+s15+$0x0], $0xffff;
	v26 =	vand.u32 $0x3F, v26  }
0x36: {  	v34 =	vor.u32 v6, v25;
	v29 =	vld.idx.msk [tilespmem:v29+s15+$0x0], $0xffff;
	s29 =	simm.s32 $0x2;
	v35 =	vbroadcast v26, $0x0  }
0x37: {  	v25 =	vor.u32 v7, v25;
	v37 =	vld.idx.msk [tilespmem:v30+s15+$0x0], $0xffff;
	v63 =	vmov s29  }
0x38: {  	v43 =	vld.idx.msk [tilespmem:v32+s15+$0x0], $0xffff;
	v26 =	vimm.f32 $0.0e+00;
	v47 =	vand.u32 $0x3F, v63;
	v41 =	vor.u32 v2, v35  }
0x39: {  	v44 =	vor.u32 v0, v35;
	v38 =	vor.u32 v3, v35;
	v46 =	vor.u32 v8, v35  }
0x3a: {  	v48 =	vld.idx.msk [tilespmem:v33+s17+$0x0], $0xffff;
	v39 =	vor.u32 v4, v35;
	v36 =	vor.u32 v5, v35;
	v32 =	vor.u32 v1, v35  }
0x3b: {  	v42 =	vld.idx.msk [tilespmem:v34+s17+$0x0], $0xffff;
	v33 =	vor.u32 v6, v35;
	v34 =	vor.u32 v7, v35;
	v27 =	vmul.f32 v27, v31  }
0x3c: {  	v40 =	vld.idx.msk [tilespmem:v25+s17+$0x0], $0xffff;
	v35 =	vimm.f32 $0.0e+00;
	v28 =	vmul.f32 v28, v31;
	v29 =	vmul.f32 v29, v31  }
0x3d: {  	v62 =	vmul.f32 v37, v31;
	v45 =	vmul.f32 v43, v31;
	v30 =	vadd.f32 v27, v26;
	v25 =	vld.idx.msk [tilespmem:v41+s13+$0x0], $0xffff  }
0x3e: {  	v37 =	vimm.f32 $0.0e+00;
	v27 =	vadd.f32 v28, v26;
	v28 =	vadd.f32 v29, v26;
	v43 =	vld.idx.msk [tilespmem:v46+s17+$0x0], $0xffff  }
0x3f: {  	s30 =	simm.s32 $0x3;
	s29 =	sshll.u32 s26, $0x1;
	v29 =	vadd.f32 v62, v26;
	v46 =	vmul.f32 v48, v31;
	v44 =	vld.idx.msk [tilespmem:v44+s15+$0x0], $0xffff;
	v41 =	vimm.f32 $0.0e+00  }
.LBB2_3:
0x40: {  	p0 =	sne.s32 s30, $0x3F;
	v47 =	vbroadcast v47, $0x0;
	v48 =	vld.idx.msk [tilespmem:v38+s15+$0x0], $0xffff;
	v26 =	vadd.f32 v45, v26;
	v45 =	vmul.f32 v42, v31  }
0x41: {  	v31 =	vmul.f32 v40, v31;
	v49 =	vld.idx.msk [tilespmem:v39+s15+$0x0], $0xffff;
	v41 =	vadd.f32 v46, v41  }
0x42: {  	v46 =	vor.u32 v2, v47;
	v50 =	vor.u32 v0, v47;
	v38 =	vor.u32 v3, v47;
	v51 =	vld.idx.msk [tilespmem:v36+s15+$0x0], $0xffff  }
0x43: {  	v39 =	vor.u32 v4, v47;
	v36 =	vor.u32 v5, v47;
	v52 =	vor.u32 v8, v47;
	v53 =	vld.idx.msk [tilespmem:v32+s17+$0x0], $0xffff  }
0x44: {  	v32 =	vor.u32 v1, v47;
	v43 =	vmul.f32 v43, v25;
	v42 =	vld.idx.msk [tilespmem:v33+s17+$0x0], $0xffff;
	v33 =	vor.u32 v6, v47  }
.Ltmp0:
0x45: {  	v37 =	vadd.f32 v45, v37;
	v44 =	vmul.f32 v44, v25;
	v40 =	vld.idx.msk [tilespmem:v34+s17+$0x0], $0xffff;
	v34 =	vor.u32 v7, v47;
	(pc) =	sbr.rel @p0 .LBB2_3-.Ltmp0, $4  }
0x46: {  	v35 =	vadd.f32 v31, v35;
	v31 =	vmovc v25;
	v45 =	vmul.f32 v48, v25;
	v30 =	vadd.f32 v43, v30  }
0x47: {  	v27 =	vadd.f32 v44, v27;
	v25 =	vld.idx.msk [tilespmem:v46+s13+$0x0], $0xffff;
	v46 =	vmul.f32 v49, v31  }
0x48: {  	v44 =	vmov s30;
	v28 =	vadd.f32 v45, v28;
	v45 =	vmul.f32 v51, v31;
	v43 =	vld.idx.msk [tilespmem:v52+s17+$0x0], $0xffff  }
0x49: {  	s30 =	sadd.s32 $0x1, s30;
	v47 =	vand.u32 $0x3F, v44;
	v44 =	vld.idx.msk [tilespmem:v50+s15+$0x0], $0xffff;
	v29 =	vadd.f32 v46, v29;
	v46 =	vmul.f32 v53, v31  }
0x4a: {  	_ =	sdelay $0x2  }
0x4b: {  	v47 =	vbroadcast v47, $0x0  }
0x4c: {  	v38 =	vld.idx.msk [tilespmem:v38+s15+$0x0], $0xffff  }
0x4d: {  	v39 =	vld.idx.msk [tilespmem:v39+s15+$0x0], $0xffff;
	v48 =	vor.u32 v2, v47  }
0x4e: {  	v36 =	vld.idx.msk [tilespmem:v36+s15+$0x0], $0xffff;
	v49 =	vor.u32 v8, v47  }
0x4f: {  	v32 =	vld.idx.msk [tilespmem:v32+s17+$0x0], $0xffff;
	v50 =	vor.u32 v0, v47  }
0x50: {  	v33 =	vld.idx.msk [tilespmem:v33+s17+$0x0], $0xffff;
	v51 =	vor.u32 v3, v47  }
0x51: {  	v34 =	vld.idx.msk [tilespmem:v34+s17+$0x0], $0xffff;
	v52 =	vor.u32 v4, v47  }
0x52: {  	v26 =	vadd.f32 v45, v26;
	v53 =	vor.u32 v5, v47;
	v48 =	vld.idx.msk [tilespmem:v48+s13+$0x0], $0xffff  }
0x53: {  	v42 =	vmul.f32 v42, v31;
	v31 =	vmul.f32 v40, v31;
	v55 =	vor.u32 v1, v47;
	v49 =	vld.idx.msk [tilespmem:v49+s17+$0x0], $0xffff  }
0x54: {  	v41 =	vadd.f32 v46, v41;
	v56 =	vor.u32 v6, v47;
	v57 =	vor.u32 v7, v47;
	v50 =	vld.idx.msk [tilespmem:v50+s15+$0x0], $0xffff  }
0x55: {  	v37 =	vadd.f32 v42, v37;
	v43 =	vmul.f32 v43, v25;
	v44 =	vmul.f32 v44, v25;
	v58 =	vld.idx.msk [tilespmem:v51+s15+$0x0], $0xffff  }
0x56: {  	v31 =	vadd.f32 v31, v35;
	v38 =	vmul.f32 v38, v25;
	v60 =	vmul.f32 v39, v25;
	v59 =	vld.idx.msk [tilespmem:v52+s15+$0x0], $0xffff  }
0x57: {  	v30 =	vadd.f32 v43, v30;
	v36 =	vmul.f32 v36, v25;
	v32 =	vmul.f32 v32, v25;
	v61 =	vld.idx.msk [tilespmem:v53+s15+$0x0], $0xffff  }
0x58: {  	v33 =	vmul.f32 v33, v25;
	v27 =	vadd.f32 v44, v27;
	v28 =	vadd.f32 v38, v28;
	v62 =	vld.idx.msk [tilespmem:v55+s17+$0x0], $0xffff  }
0x59: {  	v25 =	vmul.f32 v34, v25;
	v29 =	vadd.f32 v60, v29;
	v26 =	vadd.f32 v36, v26;
	v63 =	vld.idx.msk [tilespmem:v56+s17+$0x0], $0xffff  }
0x5a: {  	v32 =	vadd.f32 v32, v41;
	v45 =	vld.idx.msk [tilespmem:v57+s17+$0x0], $0xffff;
	v33 =	vadd.f32 v33, v37  }
0x5b: {  	s31 =	simm.s32 $0x0;
	v25 =	vadd.f32 v25, v31;
	v44 =	vmul.f32 v50, v48;
	v46 =	vmul.f32 v49, v48  }
0x5c: {  	v52 =	vmov s31;
	v49 =	vmul.f32 v58, v48;
	v31 =	vmul.f32 v59, v48  }
0x5d: {  	s30 =	sshll.u32 s26, $0x5;
	v50 =	vmul.f32 v61, v48;
	v51 =	vmul.f32 v62, v48;
	v27 =	vadd.f32 v44, v27  }
0x5e: {  	s30 =	sand.u32 $0x3FFFFFE0, s30;
	v28 =	vadd.f32 v49, v28;
	v29 =	vadd.f32 v31, v29;
	v31 =	vmul.f32 v63, v48  }
0x5f: {  	v36 =	vmul.f32 v45, v48;
	v32 =	vadd.f32 v51, v32;
	[tilespmem:s30+$0xFA00] =	vst v27;
	v27 =	vand.u32 $0x3F, v52  }
0x60: {  	v26 =	vadd.f32 v50, v26;
	v31 =	vadd.f32 v31, v33;
	[tilespmem:s30+$0xFC00] =	vst v28;
	v27 =	vbroadcast v27, $0x0  }
0x61: {  	v25 =	vadd.f32 v36, v25;
	[tilespmem:s30+$0xFE00] =	vst v29;
	v28 =	vsub.f32 $0.0e+00, v32  }
0x62: {  	v29 =	vadd.f32 v46, v30;
	[tilespmem:s30+$0x10000] =	vst v26;
	v26 =	vsub.f32 $0.0e+00, v31;
	v30 =	vor.u32 v2, v27  }
0x63: {  	v25 =	vsub.f32 $0.0e+00, v25;
	[tilespmem:s30+$0x10200] =	vst v28;
	v28 =	vor.u32 v16, v27  }
0x64: {  	[tilespmem:s30+$0x10400] =	vst v26;
	v26 =	vsub.f32 $0.0e+00, v29;
	v29 =	vor.u32 v9, v27  }
0x65: {  	[tilespmem:s30+$0x10600] =	vst v25;
	v25 =	vor.u32 v10, v27  }
0x66: {  	s31 =	simm.s32 $0x1;
	v53 =	vor.u32 v11, v27;
	[tilespmem:s30+$0x10800] =	vst v26  }
0x67: {  	v54 =	vor.u32 v12, v27;
	v26 =	vmov s31;
	v31 =	vld.idx.msk [tilespmem:v30+s13+$0x0], $0xffff  }
0x68: {  	v26 =	vand.u32 $0x3F, v26;
	v30 =	vor.u32 v13, v27;
	v28 =	vld.idx.msk [tilespmem:v28+s17+$0x0], $0xffff  }
0x69: {  	v55 =	vor.u32 v14, v27;
	v56 =	vbroadcast v26, $0x0;
	v29 =	vld.idx.msk [tilespmem:v29+s17+$0x0], $0xffff  }
0x6a: {  	v41 =	vimm.f32 $0.0e+00;
	s31 =	simm.s32 $0x2;
	v25 =	vld.idx.msk [tilespmem:v25+s17+$0x0], $0xffff;
	v27 =	vor.u32 v15, v27  }
0x6b: {  	v37 =	vimm.f32 $0.0e+00;
	v63 =	vmov s31;
	v32 =	vld.idx.msk [tilespmem:v53+s17+$0x0], $0xffff;
	v57 =	vor.u32 v2, v56  }
0x6c: {  	v26 =	vimm.f32 $0.0e+00;
	v59 =	vld.idx.msk [tilespmem:v54+s17+$0x0], $0xffff;
	v47 =	vand.u32 $0x3F, v63;
	v60 =	vor.u32 v16, v56  }
0x6d: {  	v58 =	vor.u32 v9, v56;
	v38 =	vor.u32 v10, v56;
	v39 =	vor.u32 v11, v56;
	v61 =	vld.idx.msk [tilespmem:v30+s17+$0x0], $0xffff  }
0x6e: {  	v40 =	vld.idx.msk [tilespmem:v55+s17+$0x0], $0xffff;
	v36 =	vor.u32 v12, v56;
	v33 =	vor.u32 v13, v56;
	v30 =	vmul.f32 v29, v31  }
0x6f: {  	v34 =	vor.u32 v14, v56;
	v28 =	vmul.f32 v28, v31;
	v62 =	vmul.f32 v25, v31;
	v42 =	vld.idx.msk [tilespmem:v27+s17+$0x0], $0xffff  }
0x70: {  	v35 =	vor.u32 v15, v56;
	v25 =	vld.idx.msk [tilespmem:v57+s13+$0x0], $0xffff;
	v27 =	vadd.f32 v30, v26;
	v30 =	vmul.f32 v32, v31  }
0x71: {  	v45 =	vmul.f32 v59, v31;
	v29 =	vadd.f32 v28, v26;
	v28 =	vadd.f32 v62, v26;
	v43 =	vld.idx.msk [tilespmem:v60+s17+$0x0], $0xffff  }
0x72: {  	s31 =	simm.s32 $0x3;
	v44 =	vld.idx.msk [tilespmem:v58+s17+$0x0], $0xffff;
	v32 =	vimm.f32 $0.0e+00;
	v30 =	vadd.f32 v30, v26;
	v46 =	vmul.f32 v61, v31  }
.LBB2_5:
0x73: {  	p0 =	sne.s32 s31, $0x3F;
	v47 =	vbroadcast v47, $0x0;
	v48 =	vld.idx.msk [tilespmem:v38+s17+$0x0], $0xffff;
	v26 =	vadd.f32 v45, v26;
	v45 =	vmul.f32 v40, v31  }
0x74: {  	v31 =	vmul.f32 v42, v31;
	v49 =	vld.idx.msk [tilespmem:v39+s17+$0x0], $0xffff;
	v41 =	vadd.f32 v46, v41  }
0x75: {  	v46 =	vor.u32 v2, v47;
	v50 =	vor.u32 v9, v47;
	v38 =	vor.u32 v10, v47;
	v51 =	vld.idx.msk [tilespmem:v36+s17+$0x0], $0xffff  }
0x76: {  	v39 =	vor.u32 v11, v47;
	v36 =	vor.u32 v12, v47;
	v52 =	vor.u32 v16, v47;
	v53 =	vld.idx.msk [tilespmem:v33+s17+$0x0], $0xffff  }
0x77: {  	v33 =	vor.u32 v13, v47;
	v43 =	vmul.f32 v43, v25;
	v40 =	vld.idx.msk [tilespmem:v34+s17+$0x0], $0xffff;
	v34 =	vor.u32 v14, v47  }
.Ltmp1:
0x78: {  	v37 =	vadd.f32 v45, v37;
	v44 =	vmul.f32 v44, v25;
	v42 =	vld.idx.msk [tilespmem:v35+s17+$0x0], $0xffff;
	v35 =	vor.u32 v15, v47;
	(pc) =	sbr.rel @p0 .LBB2_5-.Ltmp1, $4  }
0x79: {  	v32 =	vadd.f32 v31, v32;
	v31 =	vmovc v25;
	v45 =	vmul.f32 v48, v25;
	v29 =	vadd.f32 v43, v29  }
0x7a: {  	v27 =	vadd.f32 v44, v27;
	v25 =	vld.idx.msk [tilespmem:v46+s13+$0x0], $0xffff;
	v46 =	vmul.f32 v49, v31  }
0x7b: {  	v44 =	vmov s31;
	v28 =	vadd.f32 v45, v28;
	v45 =	vmul.f32 v51, v31;
	v43 =	vld.idx.msk [tilespmem:v52+s17+$0x0], $0xffff  }
0x7c: {  	s31 =	sadd.s32 $0x1, s31;
	v47 =	vand.u32 $0x3F, v44;
	v44 =	vld.idx.msk [tilespmem:v50+s17+$0x0], $0xffff;
	v30 =	vadd.f32 v46, v30;
	v46 =	vmul.f32 v53, v31  }
0x7d: {  	_ =	sdelay $0x2  }
0x7e: {  	v47 =	vbroadcast v47, $0x0  }
0x7f: {  	v38 =	vld.idx.msk [tilespmem:v38+s17+$0x0], $0xffff  }
0x80: {  	v39 =	vld.idx.msk [tilespmem:v39+s17+$0x0], $0xffff;
	v48 =	vor.u32 v2, v47  }
0x81: {  	v36 =	vld.idx.msk [tilespmem:v36+s17+$0x0], $0xffff;
	v49 =	vor.u32 v16, v47  }
0x82: {  	v33 =	vld.idx.msk [tilespmem:v33+s17+$0x0], $0xffff;
	v50 =	vor.u32 v9, v47  }
0x83: {  	v34 =	vld.idx.msk [tilespmem:v34+s17+$0x0], $0xffff;
	v51 =	vor.u32 v10, v47  }
0x84: {  	v35 =	vld.idx.msk [tilespmem:v35+s17+$0x0], $0xffff;
	v26 =	vadd.f32 v45, v26;
	v54 =	vor.u32 v12, v47  }
0x85: {  	v40 =	vmul.f32 v40, v31;
	v31 =	vmul.f32 v42, v31;
	v52 =	vor.u32 v11, v47;
	v48 =	vld.idx.msk [tilespmem:v48+s13+$0x0], $0xffff  }
0x86: {  	v41 =	vadd.f32 v46, v41;
	v55 =	vor.u32 v13, v47;
	v56 =	vor.u32 v14, v47;
	v49 =	vld.idx.msk [tilespmem:v49+s17+$0x0], $0xffff  }
0x87: {  	v47 =	vor.u32 v15, v47;
	v37 =	vadd.f32 v40, v37;
	v43 =	vmul.f32 v43, v25;
	v50 =	vld.idx.msk [tilespmem:v50+s17+$0x0], $0xffff  }
0x88: {  	v31 =	vadd.f32 v31, v32;
	v44 =	vmul.f32 v44, v25;
	v38 =	vmul.f32 v38, v25;
	v57 =	vld.idx.msk [tilespmem:v51+s17+$0x0], $0xffff  }
0x89: {  	v29 =	vadd.f32 v43, v29;
	v39 =	vmul.f32 v39, v25;
	v59 =	vmul.f32 v36, v25;
	v60 =	vld.idx.msk [tilespmem:v54+s17+$0x0], $0xffff  }
0x8a: {  	v33 =	vmul.f32 v33, v25;
	v62 =	vmul.f32 v34, v25;
	v27 =	vadd.f32 v44, v27;
	v58 =	vld.idx.msk [tilespmem:v52+s17+$0x0], $0xffff  }
0x8b: {  	v25 =	vmul.f32 v35, v25;
	v28 =	vadd.f32 v38, v28;
	v30 =	vadd.f32 v39, v30;
	v63 =	vld.idx.msk [tilespmem:v56+s17+$0x0], $0xffff  }
0x8c: {  	v61 =	vld.idx.msk [tilespmem:v55+s17+$0x0], $0xffff;
	v26 =	vadd.f32 v59, v26;
	v33 =	vadd.f32 v33, v41  }
0x8d: {  	s31 =	simm.s32 $0x0;
	v46 =	vld.idx.msk [tilespmem:v47+s17+$0x0], $0xffff;
	v32 =	vadd.f32 v62, v37;
	v25 =	vadd.f32 v25, v31;
	v45 =	vmul.f32 v50, v48  }
0x8e: {  	v51 =	vmov s31;
	v47 =	vmul.f32 v57, v48;
	v31 =	vmul.f32 v60, v48  }
0x8f: {  	v44 =	vmul.f32 v49, v48;
	v49 =	vmul.f32 v58, v48;
	v27 =	vadd.f32 v45, v27  }
0x90: {  	v28 =	vadd.f32 v47, v28;
	v26 =	vadd.f32 v31, v26;
	v31 =	vmul.f32 v63, v48  }
0x91: {  	v50 =	vmul.f32 v61, v48;
	v30 =	vadd.f32 v49, v30;
	v27 =	vsub.f32 $0.0e+00, v27  }
0x92: {  	v52 =	vmul.f32 v46, v48;
	v28 =	vsub.f32 $0.0e+00, v28;
	v31 =	vadd.f32 v31, v32  }
0x93: {  	v26 =	vsub.f32 $0.0e+00, v26;
	[tilespmem:s30+$0x10A00] =	vst v27;
	v27 =	vsub.f32 $0.0e+00, v30;
	v30 =	vand.u32 $0x3F, v51  }
0x94: {  	v33 =	vadd.f32 v50, v33;
	v25 =	vadd.f32 v52, v25;
	[tilespmem:s30+$0x10C00] =	vst v28;
	v28 =	vbroadcast v30, $0x0  }
0x95: {  	v29 =	vadd.f32 v44, v29;
	[tilespmem:s30+$0x11000] =	vst v26;
	v26 =	vsub.f32 $0.0e+00, v31  }
0x96: {  	[tilespmem:s30+$0x10E00] =	vst v27;
	v27 =	vsub.f32 $0.0e+00, v33;
	v30 =	vor.u32 v2, v28  }
0x97: {  	v25 =	vsub.f32 $0.0e+00, v25;
	[tilespmem:s30+$0x11400] =	vst v26;
	v26 =	vsub.f32 $0.0e+00, v29;
	v29 =	vor.u32 v17, v28  }
0x98: {  	[tilespmem:s30+$0x11200] =	vst v27;
	v27 =	vor.u32 v24, v28  }
0x99: {  	[tilespmem:s30+$0x11600] =	vst v25;
	v25 =	vor.u32 v18, v28  }
0x9a: {  	s31 =	simm.s32 $0x1;
	v53 =	vor.u32 v19, v28;
	[tilespmem:s30+$0x11800] =	vst v26  }
0x9b: {  	v54 =	vor.u32 v20, v28;
	v26 =	vmov s31;
	v31 =	vld.idx.msk [tilespmem:v30+s13+$0x0], $0xffff  }
0x9c: {  	v26 =	vand.u32 $0x3F, v26;
	v30 =	vor.u32 v21, v28;
	v29 =	vld.idx.msk [tilespmem:v29+s17+$0x0], $0xffff  }
0x9d: {  	v55 =	vor.u32 v22, v28;
	v56 =	vbroadcast v26, $0x0;
	v27 =	vld.idx.msk [tilespmem:v27+s17+$0x0], $0xffff  }
0x9e: {  	v40 =	vimm.f32 $0.0e+00;
	s31 =	simm.s32 $0x2;
	v25 =	vld.idx.msk [tilespmem:v25+s17+$0x0], $0xffff;
	v28 =	vor.u32 v23, v28  }
0x9f: {  	v37 =	vimm.f32 $0.0e+00;
	v63 =	vmov s31;
	v57 =	vld.idx.msk [tilespmem:v53+s17+$0x0], $0xffff;
	v58 =	vor.u32 v2, v56  }
0xa0: {  	v26 =	vimm.f32 $0.0e+00;
	v47 =	vand.u32 $0x3F, v63;
	v33 =	vld.idx.msk [tilespmem:v54+s17+$0x0], $0xffff;
	v60 =	vor.u32 v24, v56  }
0xa1: {  	v59 =	vor.u32 v17, v56;
	v38 =	vor.u32 v18, v56;
	v39 =	vor.u32 v19, v56;
	v61 =	vld.idx.msk [tilespmem:v30+s17+$0x0], $0xffff  }
0xa2: {  	v34 =	vor.u32 v20, v56;
	v41 =	vld.idx.msk [tilespmem:v55+s17+$0x0], $0xffff;
	v30 =	vmul.f32 v29, v31;
	v27 =	vmul.f32 v27, v31  }
0xa3: {  	v35 =	vor.u32 v21, v56;
	v36 =	vor.u32 v22, v56;
	v62 =	vmul.f32 v25, v31;
	v42 =	vld.idx.msk [tilespmem:v28+s17+$0x0], $0xffff  }
0xa4: {  	v25 =	vld.idx.msk [tilespmem:v58+s13+$0x0], $0xffff;
	v29 =	vadd.f32 v27, v26;
	v27 =	vadd.f32 v30, v26;
	v30 =	vmul.f32 v57, v31  }
0xa5: {  	v32 =	vor.u32 v23, v56;
	v45 =	vmul.f32 v33, v31;
	v43 =	vld.idx.msk [tilespmem:v60+s17+$0x0], $0xffff;
	v33 =	vimm.f32 $0.0e+00  }
0xa6: {  	s31 =	simm.s32 $0x3;
	v44 =	vld.idx.msk [tilespmem:v59+s17+$0x0], $0xffff;
	v28 =	vadd.f32 v62, v26;
	v30 =	vadd.f32 v30, v26;
	v46 =	vmul.f32 v61, v31  }
.LBB2_7:
0xa7: {  	p0 =	sne.s32 s31, $0x3F;
	v47 =	vbroadcast v47, $0x0;
	v48 =	vld.idx.msk [tilespmem:v38+s17+$0x0], $0xffff;
	v26 =	vadd.f32 v45, v26;
	v45 =	vmul.f32 v41, v31  }
0xa8: {  	v31 =	vmul.f32 v42, v31;
	v49 =	vld.idx.msk [tilespmem:v39+s17+$0x0], $0xffff;
	v40 =	vadd.f32 v46, v40  }
0xa9: {  	v46 =	vor.u32 v2, v47;
	v50 =	vor.u32 v17, v47;
	v38 =	vor.u32 v18, v47;
	v51 =	vld.idx.msk [tilespmem:v34+s17+$0x0], $0xffff  }
0xaa: {  	v39 =	vor.u32 v19, v47;
	v34 =	vor.u32 v20, v47;
	v52 =	vor.u32 v24, v47;
	v53 =	vld.idx.msk [tilespmem:v35+s17+$0x0], $0xffff  }
0xab: {  	v35 =	vor.u32 v21, v47;
	v43 =	vmul.f32 v43, v25;
	v41 =	vld.idx.msk [tilespmem:v36+s17+$0x0], $0xffff;
	v36 =	vor.u32 v22, v47  }
.Ltmp2:
0xac: {  	v37 =	vadd.f32 v45, v37;
	v44 =	vmul.f32 v44, v25;
	v42 =	vld.idx.msk [tilespmem:v32+s17+$0x0], $0xffff;
	v32 =	vor.u32 v23, v47;
	(pc) =	sbr.rel @p0 .LBB2_7-.Ltmp2, $4  }
0xad: {  	v33 =	vadd.f32 v31, v33;
	v31 =	vmovc v25;
	v45 =	vmul.f32 v48, v25;
	v29 =	vadd.f32 v43, v29  }
0xae: {  	v27 =	vadd.f32 v44, v27;
	v25 =	vld.idx.msk [tilespmem:v46+s13+$0x0], $0xffff;
	v46 =	vmul.f32 v49, v31  }
0xaf: {  	v44 =	vmov s31;
	v28 =	vadd.f32 v45, v28;
	v45 =	vmul.f32 v51, v31;
	v43 =	vld.idx.msk [tilespmem:v52+s17+$0x0], $0xffff  }
0xb0: {  	s31 =	sadd.s32 $0x1, s31;
	v47 =	vand.u32 $0x3F, v44;
	v44 =	vld.idx.msk [tilespmem:v50+s17+$0x0], $0xffff;
	v30 =	vadd.f32 v46, v30;
	v46 =	vmul.f32 v53, v31  }
0xb1: {  	_ =	sdelay $0x2  }
0xb2: {  	v47 =	vbroadcast v47, $0x0  }
0xb3: {  	v38 =	vld.idx.msk [tilespmem:v38+s17+$0x0], $0xffff  }
0xb4: {  	v39 =	vld.idx.msk [tilespmem:v39+s17+$0x0], $0xffff;
	v48 =	vor.u32 v2, v47  }
0xb5: {  	v34 =	vld.idx.msk [tilespmem:v34+s17+$0x0], $0xffff;
	v49 =	vor.u32 v17, v47  }
0xb6: {  	v35 =	vld.idx.msk [tilespmem:v35+s17+$0x0], $0xffff;
	v50 =	vor.u32 v18, v47  }
0xb7: {  	v36 =	vld.idx.msk [tilespmem:v36+s17+$0x0], $0xffff;
	v51 =	vor.u32 v19, v47  }
0xb8: {  	v32 =	vld.idx.msk [tilespmem:v32+s17+$0x0], $0xffff;
	v62 =	vor.u32 v20, v47  }
0xb9: {  	v41 =	vmul.f32 v41, v31;
	v63 =	vor.u32 v21, v47;
	v56 =	vld.idx.msk [tilespmem:v48+s13+$0x0], $0xffff  }
0xba: {  	v57 =	vor.u32 v24, v47;
	v52 =	vor.u32 v22, v47;
	v47 =	vor.u32 v23, v47;
	v49 =	vld.idx.msk [tilespmem:v49+s17+$0x0], $0xffff  }
0xbb: {  	v26 =	vadd.f32 v45, v26;
	v31 =	vmul.f32 v42, v31;
	v58 =	vld.idx.msk [tilespmem:v50+s17+$0x0], $0xffff  }
0xbc: {  	v40 =	vadd.f32 v46, v40;
	v37 =	vadd.f32 v41, v37;
	v43 =	vmul.f32 v43, v25;
	v59 =	vld.idx.msk [tilespmem:v51+s17+$0x0], $0xffff  }
0xbd: {  	v31 =	vadd.f32 v31, v33;
	v44 =	vmul.f32 v44, v25;
	v38 =	vmul.f32 v38, v25;
	v61 =	vld.idx.msk [tilespmem:v62+s17+$0x0], $0xffff  }
0xbe: {  	v29 =	vadd.f32 v43, v29;
	v39 =	vmul.f32 v39, v25;
	v60 =	vmul.f32 v34, v25;
	v62 =	vld.idx.msk [tilespmem:v63+s17+$0x0], $0xffff  }
0xbf: {  	v35 =	vmul.f32 v35, v25;
	v27 =	vadd.f32 v44, v27;
	v28 =	vadd.f32 v38, v28;
	v47 =	vld.idx.msk [tilespmem:v47+s17+$0x0], $0xffff  }
0xc0: {  	v30 =	vadd.f32 v39, v30;
	v26 =	vadd.f32 v60, v26;
	v63 =	vmul.f32 v36, v25;
	v44 =	vld.idx.msk [tilespmem:v52+s17+$0x0], $0xffff  }
0xc1: {  	v35 =	vadd.f32 v35, v40;
	v25 =	vmul.f32 v32, v25;
	v45 =	vmul.f32 v49, v56  }
0xc2: {  	v33 =	vadd.f32 v63, v37;
	v49 =	vmul.f32 v58, v56;
	v51 =	vmul.f32 v59, v56  }
0xc3: {  	v50 =	vld.idx.msk [tilespmem:v57+s17+$0x0], $0xffff;
	v25 =	vadd.f32 v25, v31;
	v31 =	vmul.f32 v61, v56;
	v27 =	vadd.f32 v45, v27  }
0xc4: {  	v32 =	vmul.f32 v47, v56;
	v28 =	vadd.f32 v49, v28;
	v30 =	vadd.f32 v51, v30  }
0xc5: {  	v26 =	vadd.f32 v31, v26;
	v31 =	vmul.f32 v44, v56;
	v27 =	vsub.f32 $0.0e+00, v27  }
0xc6: {  	v25 =	vadd.f32 v32, v25;
	v28 =	vsub.f32 $0.0e+00, v28  }
0xc7: {  	v52 =	vmul.f32 v62, v56;
	v31 =	vadd.f32 v31, v33;
	v26 =	vsub.f32 $0.0e+00, v26;
	[tilespmem:s30+$0x11A00] =	vst v27  }
0xc8: {  	v25 =	vsub.f32 $0.0e+00, v25;
	v27 =	vsub.f32 $0.0e+00, v30;
	v30 =	vmul.f32 v50, v56;
	[tilespmem:s30+$0x11C00] =	vst v28  }
0xc9: {  	v34 =	vadd.f32 v52, v35;
	[tilespmem:s30+$0x12000] =	vst v26  }
0xca: {  	v26 =	vsub.f32 $0.0e+00, v31;
	[tilespmem:s30+$0x12600] =	vst v25;
	v28 =	vadd.f32 v30, v29  }
0xcb: {  	p0 =	seq.s32 s26, $0xF;
	[tilespmem:s30+$0x11E00] =	vst v27;
	v27 =	vsub.f32 $0.0e+00, v34  }
0xcc: {  	s29 =	sadd.s32 @!p0 $0x2, s29;
	[tilespmem:s30+$0x12400] =	vst v26;
	v26 =	vsub.f32 $0.0e+00, v28  }
0xcd: {  	s31 =	sshll.u32 @!p0 s29, $0x6;
	[tilespmem:s30+$0x12200] =	vst v27  }
0xce: {  	s1 =	simm.s32 @!p0 $0x10;
	s0 =	simm.s32 @!p0 $0x3200;
	[tilespmem:s30+$0x12800] =	vst v26;
	s30 =	sshra.s32 @!p0 s31, $0x2  }
0xcf: {  	[tilespmem:s0], [sflag:$0x1] =	stream.indirect.gather @!p0 [hbm4b:s3+s1], $0x40, s30, s1, $0xb8;
	[tilespmem:$0x12A00] =	vst v63  }
0xd0: {  	s29 =	smul.u32 @!p0 $0x500, s29;
	s0 =	sand.u32 @!p0 $0x3FFFFFC0, s31  }
0xd1: {  	s1 =	simm.s32 @!p0 $0x40;
	s30 =	simm.s32 @!p0 $0x3A00;
	s0 =	sadd.s32 @!p0 $0x200, s0  }
0xd2: {  	[tilespmem:s30], [sflag:$0x1] =	stream.indirect.gather @!p0 [hbm4b:s3+s1], $0x40, s0, s1, $0xb8;
	[tilespmem:$0x12A00] =	vst v63  }
0xd3: {  	s0 =	sshra.s32 @!p0 s29, $0x2  }
0xd4: {  	s1 =	simm.s32 @!p0 $0x140;
	s29 =	simm.s32 @!p0 $0x5A00;
	s0 =	sadd.s32 @!p0 $0xA00, s0  }
0xd5: {  	[tilespmem:s29], [sflag:$0x1] =	stream.indirect.gather @!p0 [hbm4b:s3+s1], $0x40, s0, s1, $0xb8;
	[tilespmem:$0x12A00] =	vst v63  }
0xd6: {  	s1 =	simm.s32 $0x0  }
0xd7: {  	_ =	swait.ge [sflag:s22], $0x400;
	v25 =	vmov s1  }
0xd8: {  	[sflag:s22] =	ssyncset.done $0x0;
	v25 =	vand.u32 $0x3F, v25  }
0xd9: {  	[sflag:s22] =	ssyncadd.s32 $0xFFFFFC00;
	v25 =	vbroadcast v25, $0x0  }
0xda: {  	_ =	swait.ge [sflag:s22], $0x1000  }
0xdb: {  	[sflag:s22] =	ssyncset.done $0x0;
	v26 =	vor.u32 v2, v25  }
0xdc: {  	v27 =	vor.u32 v8, v25;
	[sflag:s22] =	ssyncadd.s32 $0xFFFFF000  }
0xdd: {  	v28 =	vor.u32 v0, v25;
	_ =	swait.ge [sflag:s22], $0x5000  }
0xde: {  	v29 =	vor.u32 v3, v25;
	[sflag:s22] =	ssyncset.done $0x0  }
0xdf: {  	v30 =	vor.u32 v4, v25;
	[sflag:s22] =	ssyncadd.s32 $0xFFFFB000  }
0xe0: {  	s30 =	simm.s32 $0x1;
	v53 =	vor.u32 v5, v25;
	v31 =	vld.idx.msk [tilespmem:v26+s18+$0x0], $0xffff  }
0xe1: {  	v54 =	vor.u32 v1, v25;
	v26 =	vmov s30;
	v27 =	vld.idx.msk [tilespmem:v27+s20+$0x0], $0xffff  }
0xe2: {  	v28 =	vld.idx.msk [tilespmem:v28+s19+$0x0], $0xffff;
	v26 =	vand.u32 $0x3F, v26  }
0xe3: {  	v55 =	vor.u32 v6, v25;
	v29 =	vld.idx.msk [tilespmem:v29+s19+$0x0], $0xffff;
	v56 =	vbroadcast v26, $0x0  }
0xe4: {  	v40 =	vimm.f32 $0.0e+00;
	s31 =	simm.s32 $0x2;
	v25 =	vor.u32 v7, v25;
	v57 =	vld.idx.msk [tilespmem:v30+s19+$0x0], $0xffff  }
0xe5: {  	v37 =	vimm.f32 $0.0e+00;
	v63 =	vmov s31;
	v32 =	vld.idx.msk [tilespmem:v53+s19+$0x0], $0xffff;
	v58 =	vor.u32 v2, v56  }
0xe6: {  	v47 =	vand.u32 $0x3F, v63;
	v61 =	vld.idx.msk [tilespmem:v54+s20+$0x0], $0xffff;
	v26 =	vimm.f32 $0.0e+00;
	v60 =	vor.u32 v8, v56  }
0xe7: {  	v59 =	vor.u32 v0, v56;
	v38 =	vor.u32 v3, v56;
	v39 =	vor.u32 v4, v56  }
0xe8: {  	v42 =	vld.idx.msk [tilespmem:v55+s20+$0x0], $0xffff;
	v36 =	vor.u32 v5, v56;
	v33 =	vor.u32 v1, v56;
	v27 =	vmul.f32 v27, v31  }
0xe9: {  	v41 =	vld.idx.msk [tilespmem:v25+s20+$0x0], $0xffff;
	v34 =	vor.u32 v6, v56;
	v28 =	vmul.f32 v28, v31;
	v29 =	vmul.f32 v29, v31  }
0xea: {  	v35 =	vor.u32 v7, v56;
	v62 =	vmul.f32 v57, v31;
	v45 =	vmul.f32 v32, v31;
	v25 =	vld.idx.msk [tilespmem:v58+s18+$0x0], $0xffff  }
0xeb: {  	v46 =	vmul.f32 v61, v31;
	v30 =	vadd.f32 v27, v26;
	v27 =	vadd.f32 v28, v26;
	v43 =	vld.idx.msk [tilespmem:v60+s20+$0x0], $0xffff  }
0xec: {  	s29 =	simm.s32 $0x3;
	v32 =	vimm.f32 $0.0e+00;
	v28 =	vadd.f32 v29, v26;
	v29 =	vadd.f32 v62, v26;
	v44 =	vld.idx.msk [tilespmem:v59+s19+$0x0], $0xffff  }
.LBB2_9:
0xed: {  	p0 =	sne.s32 s29, $0x3F;
	v47 =	vbroadcast v47, $0x0;
	v48 =	vld.idx.msk [tilespmem:v38+s19+$0x0], $0xffff;
	v26 =	vadd.f32 v45, v26;
	v45 =	vmul.f32 v42, v31  }
0xee: {  	v31 =	vmul.f32 v41, v31;
	v49 =	vld.idx.msk [tilespmem:v39+s19+$0x0], $0xffff;
	v40 =	vadd.f32 v46, v40  }
0xef: {  	v46 =	vor.u32 v2, v47;
	v50 =	vor.u32 v0, v47;
	v38 =	vor.u32 v3, v47;
	v51 =	vld.idx.msk [tilespmem:v36+s19+$0x0], $0xffff  }
0xf0: {  	v39 =	vor.u32 v4, v47;
	v36 =	vor.u32 v5, v47;
	v52 =	vor.u32 v8, v47;
	v53 =	vld.idx.msk [tilespmem:v33+s20+$0x0], $0xffff  }
0xf1: {  	v33 =	vor.u32 v1, v47;
	v43 =	vmul.f32 v43, v25;
	v42 =	vld.idx.msk [tilespmem:v34+s20+$0x0], $0xffff;
	v34 =	vor.u32 v6, v47  }
.Ltmp3:
0xf2: {  	v37 =	vadd.f32 v45, v37;
	v44 =	vmul.f32 v44, v25;
	v41 =	vld.idx.msk [tilespmem:v35+s20+$0x0], $0xffff;
	v35 =	vor.u32 v7, v47;
	(pc) =	sbr.rel @p0 .LBB2_9-.Ltmp3, $4  }
0xf3: {  	v32 =	vadd.f32 v31, v32;
	v31 =	vmovc v25;
	v45 =	vmul.f32 v48, v25;
	v30 =	vadd.f32 v43, v30  }
0xf4: {  	v27 =	vadd.f32 v44, v27;
	v25 =	vld.idx.msk [tilespmem:v46+s18+$0x0], $0xffff;
	v46 =	vmul.f32 v49, v31  }
0xf5: {  	v44 =	vmov s29;
	v28 =	vadd.f32 v45, v28;
	v45 =	vmul.f32 v51, v31;
	v43 =	vld.idx.msk [tilespmem:v52+s20+$0x0], $0xffff  }
0xf6: {  	s29 =	sadd.s32 $0x1, s29;
	v47 =	vand.u32 $0x3F, v44;
	v44 =	vld.idx.msk [tilespmem:v50+s19+$0x0], $0xffff;
	v29 =	vadd.f32 v46, v29;
	v46 =	vmul.f32 v53, v31  }
0xf7: {  	_ =	sdelay $0x2  }
0xf8: {  	v47 =	vbroadcast v47, $0x0  }
0xf9: {  	v38 =	vld.idx.msk [tilespmem:v38+s19+$0x0], $0xffff  }
0xfa: {  	v39 =	vld.idx.msk [tilespmem:v39+s19+$0x0], $0xffff;
	v48 =	vor.u32 v2, v47  }
0xfb: {  	v36 =	vld.idx.msk [tilespmem:v36+s19+$0x0], $0xffff;
	v49 =	vor.u32 v8, v47  }
0xfc: {  	v33 =	vld.idx.msk [tilespmem:v33+s20+$0x0], $0xffff;
	v50 =	vor.u32 v0, v47  }
0xfd: {  	v34 =	vld.idx.msk [tilespmem:v34+s20+$0x0], $0xffff;
	v51 =	vor.u32 v3, v47  }
0xfe: {  	v35 =	vld.idx.msk [tilespmem:v35+s20+$0x0], $0xffff;
	v52 =	vor.u32 v4, v47  }
0xff: {  	v26 =	vadd.f32 v45, v26;
	v53 =	vor.u32 v5, v47;
	v48 =	vld.idx.msk [tilespmem:v48+s18+$0x0], $0xffff  }
0x100: {  	v42 =	vmul.f32 v42, v31;
	v31 =	vmul.f32 v41, v31;
	v54 =	vor.u32 v1, v47;
	v49 =	vld.idx.msk [tilespmem:v49+s20+$0x0], $0xffff  }
0x101: {  	v40 =	vadd.f32 v46, v40;
	v55 =	vor.u32 v6, v47;
	v56 =	vor.u32 v7, v47;
	v50 =	vld.idx.msk [tilespmem:v50+s19+$0x0], $0xffff  }
0x102: {  	v37 =	vadd.f32 v42, v37;
	v43 =	vmul.f32 v43, v25;
	v44 =	vmul.f32 v44, v25;
	v57 =	vld.idx.msk [tilespmem:v51+s19+$0x0], $0xffff  }
0x103: {  	v31 =	vadd.f32 v31, v32;
	v38 =	vmul.f32 v38, v25;
	v59 =	vmul.f32 v39, v25;
	v58 =	vld.idx.msk [tilespmem:v52+s19+$0x0], $0xffff  }
0x104: {  	v30 =	vadd.f32 v43, v30;
	v36 =	vmul.f32 v36, v25;
	v33 =	vmul.f32 v33, v25;
	v60 =	vld.idx.msk [tilespmem:v53+s19+$0x0], $0xffff  }
0x105: {  	v62 =	vmul.f32 v34, v25;
	v27 =	vadd.f32 v44, v27;
	v28 =	vadd.f32 v38, v28;
	v61 =	vld.idx.msk [tilespmem:v54+s20+$0x0], $0xffff  }
0x106: {  	v25 =	vmul.f32 v35, v25;
	v29 =	vadd.f32 v59, v29;
	v26 =	vadd.f32 v36, v26;
	v63 =	vld.idx.msk [tilespmem:v55+s20+$0x0], $0xffff  }
0x107: {  	v33 =	vadd.f32 v33, v40;
	v45 =	vld.idx.msk [tilespmem:v56+s20+$0x0], $0xffff;
	v32 =	vadd.f32 v62, v37  }
0x108: {  	s0 =	simm.s32 $0x0;
	v25 =	vadd.f32 v25, v31;
	v44 =	vmul.f32 v50, v48;
	v46 =	vmul.f32 v49, v48  }
0x109: {  	v52 =	vmov s0;
	v49 =	vmul.f32 v57, v48;
	v31 =	vmul.f32 v58, v48  }
0x10a: {  	v50 =	vmul.f32 v60, v48;
	v51 =	vmul.f32 v61, v48;
	v27 =	vadd.f32 v44, v27  }
0x10b: {  	v28 =	vadd.f32 v49, v28;
	v29 =	vadd.f32 v31, v29;
	v31 =	vmul.f32 v63, v48  }
0x10c: {  	v36 =	vmul.f32 v45, v48;
	v33 =	vadd.f32 v51, v33;
	[tilespmem:s28+$0xFA00] =	vst v27;
	v27 =	vand.u32 $0x3F, v52  }
0x10d: {  	v26 =	vadd.f32 v50, v26;
	v31 =	vadd.f32 v31, v32;
	[tilespmem:s28+$0xFC00] =	vst v28;
	v27 =	vbroadcast v27, $0x0  }
0x10e: {  	v25 =	vadd.f32 v36, v25;
	[tilespmem:s28+$0xFE00] =	vst v29;
	v28 =	vsub.f32 $0.0e+00, v33  }
0x10f: {  	v29 =	vadd.f32 v46, v30;
	[tilespmem:s28+$0x10000] =	vst v26;
	v26 =	vsub.f32 $0.0e+00, v31;
	v30 =	vor.u32 v2, v27  }
0x110: {  	v25 =	vsub.f32 $0.0e+00, v25;
	[tilespmem:s28+$0x10200] =	vst v28;
	v28 =	vor.u32 v16, v27  }
0x111: {  	[tilespmem:s28+$0x10400] =	vst v26;
	v26 =	vsub.f32 $0.0e+00, v29;
	v29 =	vor.u32 v9, v27  }
0x112: {  	[tilespmem:s28+$0x10600] =	vst v25;
	v25 =	vor.u32 v10, v27  }
0x113: {  	s30 =	simm.s32 $0x1;
	v53 =	vor.u32 v11, v27;
	[tilespmem:s28+$0x10800] =	vst v26  }
0x114: {  	v54 =	vor.u32 v12, v27;
	v26 =	vmov s30;
	v31 =	vld.idx.msk [tilespmem:v30+s18+$0x0], $0xffff  }
0x115: {  	v26 =	vand.u32 $0x3F, v26;
	v30 =	vor.u32 v13, v27;
	v28 =	vld.idx.msk [tilespmem:v28+s20+$0x0], $0xffff  }
0x116: {  	v55 =	vor.u32 v14, v27;
	v56 =	vbroadcast v26, $0x0;
	v29 =	vld.idx.msk [tilespmem:v29+s20+$0x0], $0xffff  }
0x117: {  	s31 =	simm.s32 $0x2;
	v41 =	vimm.f32 $0.0e+00;
	v25 =	vld.idx.msk [tilespmem:v25+s20+$0x0], $0xffff;
	v27 =	vor.u32 v15, v27  }
0x118: {  	v37 =	vimm.f32 $0.0e+00;
	v63 =	vmov s31;
	v32 =	vld.idx.msk [tilespmem:v53+s20+$0x0], $0xffff;
	v57 =	vor.u32 v2, v56  }
0x119: {  	v47 =	vand.u32 $0x3F, v63;
	v26 =	vimm.f32 $0.0e+00;
	v59 =	vld.idx.msk [tilespmem:v54+s20+$0x0], $0xffff;
	v60 =	vor.u32 v16, v56  }
0x11a: {  	v58 =	vor.u32 v9, v56;
	v38 =	vor.u32 v10, v56;
	v39 =	vor.u32 v11, v56;
	v61 =	vld.idx.msk [tilespmem:v30+s20+$0x0], $0xffff  }
0x11b: {  	v40 =	vld.idx.msk [tilespmem:v55+s20+$0x0], $0xffff;
	v36 =	vor.u32 v12, v56;
	v33 =	vor.u32 v13, v56;
	v30 =	vmul.f32 v29, v31  }
0x11c: {  	v34 =	vor.u32 v14, v56;
	v28 =	vmul.f32 v28, v31;
	v62 =	vmul.f32 v25, v31;
	v42 =	vld.idx.msk [tilespmem:v27+s20+$0x0], $0xffff  }
0x11d: {  	v35 =	vor.u32 v15, v56;
	v25 =	vld.idx.msk [tilespmem:v57+s18+$0x0], $0xffff;
	v27 =	vadd.f32 v30, v26;
	v30 =	vmul.f32 v32, v31  }
0x11e: {  	v45 =	vmul.f32 v59, v31;
	v29 =	vadd.f32 v28, v26;
	v28 =	vadd.f32 v62, v26;
	v43 =	vld.idx.msk [tilespmem:v60+s20+$0x0], $0xffff  }
0x11f: {  	s29 =	simm.s32 $0x3;
	v44 =	vld.idx.msk [tilespmem:v58+s20+$0x0], $0xffff;
	v32 =	vimm.f32 $0.0e+00;
	v30 =	vadd.f32 v30, v26;
	v46 =	vmul.f32 v61, v31  }
.LBB2_11:
0x120: {  	p0 =	sne.s32 s29, $0x3F;
	v47 =	vbroadcast v47, $0x0;
	v48 =	vld.idx.msk [tilespmem:v38+s20+$0x0], $0xffff;
	v26 =	vadd.f32 v45, v26;
	v45 =	vmul.f32 v40, v31  }
0x121: {  	v31 =	vmul.f32 v42, v31;
	v49 =	vld.idx.msk [tilespmem:v39+s20+$0x0], $0xffff;
	v41 =	vadd.f32 v46, v41  }
0x122: {  	v46 =	vor.u32 v2, v47;
	v50 =	vor.u32 v9, v47;
	v38 =	vor.u32 v10, v47;
	v51 =	vld.idx.msk [tilespmem:v36+s20+$0x0], $0xffff  }
0x123: {  	v39 =	vor.u32 v11, v47;
	v36 =	vor.u32 v12, v47;
	v52 =	vor.u32 v16, v47;
	v53 =	vld.idx.msk [tilespmem:v33+s20+$0x0], $0xffff  }
0x124: {  	v33 =	vor.u32 v13, v47;
	v43 =	vmul.f32 v43, v25;
	v40 =	vld.idx.msk [tilespmem:v34+s20+$0x0], $0xffff;
	v34 =	vor.u32 v14, v47  }
.Ltmp4:
0x125: {  	v37 =	vadd.f32 v45, v37;
	v44 =	vmul.f32 v44, v25;
	v42 =	vld.idx.msk [tilespmem:v35+s20+$0x0], $0xffff;
	v35 =	vor.u32 v15, v47;
	(pc) =	sbr.rel @p0 .LBB2_11-.Ltmp4, $4  }
0x126: {  	v32 =	vadd.f32 v31, v32;
	v31 =	vmovc v25;
	v45 =	vmul.f32 v48, v25;
	v29 =	vadd.f32 v43, v29  }
0x127: {  	v27 =	vadd.f32 v44, v27;
	v25 =	vld.idx.msk [tilespmem:v46+s18+$0x0], $0xffff;
	v46 =	vmul.f32 v49, v31  }
0x128: {  	v44 =	vmov s29;
	v28 =	vadd.f32 v45, v28;
	v45 =	vmul.f32 v51, v31;
	v43 =	vld.idx.msk [tilespmem:v52+s20+$0x0], $0xffff  }
0x129: {  	s29 =	sadd.s32 $0x1, s29;
	v47 =	vand.u32 $0x3F, v44;
	v44 =	vld.idx.msk [tilespmem:v50+s20+$0x0], $0xffff;
	v30 =	vadd.f32 v46, v30;
	v46 =	vmul.f32 v53, v31  }
0x12a: {  	_ =	sdelay $0x2  }
0x12b: {  	v47 =	vbroadcast v47, $0x0  }
0x12c: {  	v38 =	vld.idx.msk [tilespmem:v38+s20+$0x0], $0xffff  }
0x12d: {  	v39 =	vld.idx.msk [tilespmem:v39+s20+$0x0], $0xffff;
	v48 =	vor.u32 v2, v47  }
0x12e: {  	v36 =	vld.idx.msk [tilespmem:v36+s20+$0x0], $0xffff;
	v49 =	vor.u32 v16, v47  }
0x12f: {  	v33 =	vld.idx.msk [tilespmem:v33+s20+$0x0], $0xffff;
	v50 =	vor.u32 v9, v47  }
0x130: {  	v34 =	vld.idx.msk [tilespmem:v34+s20+$0x0], $0xffff;
	v51 =	vor.u32 v10, v47  }
0x131: {  	v35 =	vld.idx.msk [tilespmem:v35+s20+$0x0], $0xffff;
	v26 =	vadd.f32 v45, v26;
	v54 =	vor.u32 v12, v47  }
0x132: {  	v40 =	vmul.f32 v40, v31;
	v31 =	vmul.f32 v42, v31;
	v52 =	vor.u32 v11, v47;
	v48 =	vld.idx.msk [tilespmem:v48+s18+$0x0], $0xffff  }
0x133: {  	v41 =	vadd.f32 v46, v41;
	v55 =	vor.u32 v13, v47;
	v56 =	vor.u32 v14, v47;
	v49 =	vld.idx.msk [tilespmem:v49+s20+$0x0], $0xffff  }
0x134: {  	v47 =	vor.u32 v15, v47;
	v37 =	vadd.f32 v40, v37;
	v43 =	vmul.f32 v43, v25;
	v50 =	vld.idx.msk [tilespmem:v50+s20+$0x0], $0xffff  }
0x135: {  	v31 =	vadd.f32 v31, v32;
	v44 =	vmul.f32 v44, v25;
	v38 =	vmul.f32 v38, v25;
	v57 =	vld.idx.msk [tilespmem:v51+s20+$0x0], $0xffff  }
0x136: {  	v29 =	vadd.f32 v43, v29;
	v39 =	vmul.f32 v39, v25;
	v59 =	vmul.f32 v36, v25;
	v60 =	vld.idx.msk [tilespmem:v54+s20+$0x0], $0xffff  }
0x137: {  	v33 =	vmul.f32 v33, v25;
	v62 =	vmul.f32 v34, v25;
	v27 =	vadd.f32 v44, v27;
	v58 =	vld.idx.msk [tilespmem:v52+s20+$0x0], $0xffff  }
0x138: {  	v25 =	vmul.f32 v35, v25;
	v28 =	vadd.f32 v38, v28;
	v30 =	vadd.f32 v39, v30;
	v63 =	vld.idx.msk [tilespmem:v56+s20+$0x0], $0xffff  }
0x139: {  	v61 =	vld.idx.msk [tilespmem:v55+s20+$0x0], $0xffff;
	v26 =	vadd.f32 v59, v26;
	v33 =	vadd.f32 v33, v41  }
0x13a: {  	s0 =	simm.s32 $0x0;
	v46 =	vld.idx.msk [tilespmem:v47+s20+$0x0], $0xffff;
	v32 =	vadd.f32 v62, v37;
	v25 =	vadd.f32 v25, v31;
	v45 =	vmul.f32 v50, v48  }
0x13b: {  	v51 =	vmov s0;
	v47 =	vmul.f32 v57, v48;
	v31 =	vmul.f32 v60, v48  }
0x13c: {  	v44 =	vmul.f32 v49, v48;
	v49 =	vmul.f32 v58, v48;
	v27 =	vadd.f32 v45, v27  }
0x13d: {  	v28 =	vadd.f32 v47, v28;
	v26 =	vadd.f32 v31, v26;
	v31 =	vmul.f32 v63, v48  }
0x13e: {  	v50 =	vmul.f32 v61, v48;
	v30 =	vadd.f32 v49, v30;
	v27 =	vsub.f32 $0.0e+00, v27  }
0x13f: {  	v52 =	vmul.f32 v46, v48;
	v28 =	vsub.f32 $0.0e+00, v28;
	v31 =	vadd.f32 v31, v32  }
0x140: {  	v26 =	vsub.f32 $0.0e+00, v26;
	[tilespmem:s28+$0x10A00] =	vst v27;
	v27 =	vsub.f32 $0.0e+00, v30;
	v30 =	vand.u32 $0x3F, v51  }
0x141: {  	v33 =	vadd.f32 v50, v33;
	v25 =	vadd.f32 v52, v25;
	[tilespmem:s28+$0x10C00] =	vst v28;
	v28 =	vbroadcast v30, $0x0  }
0x142: {  	v29 =	vadd.f32 v44, v29;
	[tilespmem:s28+$0x11000] =	vst v26;
	v26 =	vsub.f32 $0.0e+00, v31  }
0x143: {  	[tilespmem:s28+$0x10E00] =	vst v27;
	v27 =	vsub.f32 $0.0e+00, v33;
	v30 =	vor.u32 v2, v28  }
0x144: {  	v25 =	vsub.f32 $0.0e+00, v25;
	[tilespmem:s28+$0x11400] =	vst v26;
	v26 =	vsub.f32 $0.0e+00, v29;
	v29 =	vor.u32 v17, v28  }
0x145: {  	[tilespmem:s28+$0x11200] =	vst v27;
	v27 =	vor.u32 v24, v28  }
0x146: {  	[tilespmem:s28+$0x11600] =	vst v25;
	v25 =	vor.u32 v18, v28  }
0x147: {  	s30 =	simm.s32 $0x1;
	v53 =	vor.u32 v19, v28;
	[tilespmem:s28+$0x11800] =	vst v26  }
0x148: {  	v54 =	vor.u32 v20, v28;
	v26 =	vmov s30;
	v31 =	vld.idx.msk [tilespmem:v30+s18+$0x0], $0xffff  }
0x149: {  	v26 =	vand.u32 $0x3F, v26;
	v30 =	vor.u32 v21, v28;
	v29 =	vld.idx.msk [tilespmem:v29+s20+$0x0], $0xffff  }
0x14a: {  	v55 =	vor.u32 v22, v28;
	v56 =	vbroadcast v26, $0x0;
	v27 =	vld.idx.msk [tilespmem:v27+s20+$0x0], $0xffff  }
0x14b: {  	s31 =	simm.s32 $0x2;
	v40 =	vimm.f32 $0.0e+00;
	v25 =	vld.idx.msk [tilespmem:v25+s20+$0x0], $0xffff;
	v28 =	vor.u32 v23, v28  }
0x14c: {  	v37 =	vimm.f32 $0.0e+00;
	v63 =	vmov s31;
	v57 =	vld.idx.msk [tilespmem:v53+s20+$0x0], $0xffff;
	v58 =	vor.u32 v2, v56  }
0x14d: {  	v47 =	vand.u32 $0x3F, v63;
	v26 =	vimm.f32 $0.0e+00;
	v33 =	vld.idx.msk [tilespmem:v54+s20+$0x0], $0xffff;
	v60 =	vor.u32 v24, v56  }
0x14e: {  	v59 =	vor.u32 v17, v56;
	v38 =	vor.u32 v18, v56;
	v39 =	vor.u32 v19, v56;
	v61 =	vld.idx.msk [tilespmem:v30+s20+$0x0], $0xffff  }
0x14f: {  	v34 =	vor.u32 v20, v56;
	v41 =	vld.idx.msk [tilespmem:v55+s20+$0x0], $0xffff;
	v30 =	vmul.f32 v29, v31;
	v27 =	vmul.f32 v27, v31  }
0x150: {  	v35 =	vor.u32 v21, v56;
	v36 =	vor.u32 v22, v56;
	v62 =	vmul.f32 v25, v31;
	v42 =	vld.idx.msk [tilespmem:v28+s20+$0x0], $0xffff  }
0x151: {  	v25 =	vld.idx.msk [tilespmem:v58+s18+$0x0], $0xffff;
	v29 =	vadd.f32 v27, v26;
	v27 =	vadd.f32 v30, v26;
	v30 =	vmul.f32 v57, v31  }
0x152: {  	v32 =	vor.u32 v23, v56;
	v45 =	vmul.f32 v33, v31;
	v43 =	vld.idx.msk [tilespmem:v60+s20+$0x0], $0xffff;
	v33 =	vimm.f32 $0.0e+00  }
0x153: {  	s29 =	simm.s32 $0x3;
	v44 =	vld.idx.msk [tilespmem:v59+s20+$0x0], $0xffff;
	v28 =	vadd.f32 v62, v26;
	v30 =	vadd.f32 v30, v26;
	v46 =	vmul.f32 v61, v31  }
.LBB2_13:
0x154: {  	p0 =	sne.s32 s29, $0x3F;
	v47 =	vbroadcast v47, $0x0;
	v48 =	vld.idx.msk [tilespmem:v38+s20+$0x0], $0xffff;
	v26 =	vadd.f32 v45, v26;
	v45 =	vmul.f32 v41, v31  }
0x155: {  	v31 =	vmul.f32 v42, v31;
	v49 =	vld.idx.msk [tilespmem:v39+s20+$0x0], $0xffff;
	v40 =	vadd.f32 v46, v40  }
0x156: {  	v46 =	vor.u32 v2, v47;
	v50 =	vor.u32 v17, v47;
	v38 =	vor.u32 v18, v47;
	v51 =	vld.idx.msk [tilespmem:v34+s20+$0x0], $0xffff  }
0x157: {  	v39 =	vor.u32 v19, v47;
	v34 =	vor.u32 v20, v47;
	v52 =	vor.u32 v24, v47;
	v53 =	vld.idx.msk [tilespmem:v35+s20+$0x0], $0xffff  }
0x158: {  	v35 =	vor.u32 v21, v47;
	v43 =	vmul.f32 v43, v25;
	v41 =	vld.idx.msk [tilespmem:v36+s20+$0x0], $0xffff;
	v36 =	vor.u32 v22, v47  }
.Ltmp5:
0x159: {  	v37 =	vadd.f32 v45, v37;
	v44 =	vmul.f32 v44, v25;
	v42 =	vld.idx.msk [tilespmem:v32+s20+$0x0], $0xffff;
	v32 =	vor.u32 v23, v47;
	(pc) =	sbr.rel @p0 .LBB2_13-.Ltmp5, $4  }
0x15a: {  	v33 =	vadd.f32 v31, v33;
	v31 =	vmovc v25;
	v45 =	vmul.f32 v48, v25;
	v29 =	vadd.f32 v43, v29  }
0x15b: {  	v27 =	vadd.f32 v44, v27;
	v25 =	vld.idx.msk [tilespmem:v46+s18+$0x0], $0xffff;
	v46 =	vmul.f32 v49, v31  }
0x15c: {  	v44 =	vmov s29;
	v28 =	vadd.f32 v45, v28;
	v45 =	vmul.f32 v51, v31;
	v43 =	vld.idx.msk [tilespmem:v52+s20+$0x0], $0xffff  }
0x15d: {  	s29 =	sadd.s32 $0x1, s29;
	v47 =	vand.u32 $0x3F, v44;
	v44 =	vld.idx.msk [tilespmem:v50+s20+$0x0], $0xffff;
	v30 =	vadd.f32 v46, v30;
	v46 =	vmul.f32 v53, v31  }
0x15e: {  	_ =	sdelay $0x2  }
0x15f: {  	v47 =	vbroadcast v47, $0x0  }
0x160: {  	v38 =	vld.idx.msk [tilespmem:v38+s20+$0x0], $0xffff  }
0x161: {  	v39 =	vld.idx.msk [tilespmem:v39+s20+$0x0], $0xffff;
	v48 =	vor.u32 v2, v47  }
0x162: {  	v34 =	vld.idx.msk [tilespmem:v34+s20+$0x0], $0xffff;
	v49 =	vor.u32 v17, v47  }
0x163: {  	v35 =	vld.idx.msk [tilespmem:v35+s20+$0x0], $0xffff;
	v50 =	vor.u32 v18, v47  }
0x164: {  	v36 =	vld.idx.msk [tilespmem:v36+s20+$0x0], $0xffff;
	v51 =	vor.u32 v19, v47;
	v58 =	vor.u32 v20, v47;
	v60 =	vor.u32 v21, v47  }
0x165: {  	v32 =	vld.idx.msk [tilespmem:v32+s20+$0x0], $0xffff;
	v61 =	vor.u32 v24, v47;
	v52 =	vor.u32 v22, v47;
	v47 =	vor.u32 v23, v47  }
0x166: {  	v41 =	vmul.f32 v41, v31;
	v40 =	vadd.f32 v46, v40;
	v46 =	vld.idx.msk [tilespmem:v48+s18+$0x0], $0xffff  }
0x167: {  	v26 =	vadd.f32 v45, v26;
	v59 =	vmul.f32 v42, v31;
	v49 =	vld.idx.msk [tilespmem:v49+s20+$0x0], $0xffff  }
0x168: {  	v37 =	vadd.f32 v41, v37;
	v43 =	vmul.f32 v43, v25;
	v44 =	vmul.f32 v44, v25;
	v62 =	vld.idx.msk [tilespmem:v50+s20+$0x0], $0xffff  }
0x169: {  	v31 =	vadd.f32 v59, v33;
	v38 =	vmul.f32 v38, v25;
	v39 =	vmul.f32 v39, v25;
	v45 =	vld.idx.msk [tilespmem:v58+s20+$0x0], $0xffff  }
0x16a: {  	v29 =	vadd.f32 v43, v29;
	v35 =	vmul.f32 v35, v25;
	v27 =	vadd.f32 v44, v27;
	v55 =	vld.idx.msk [tilespmem:v47+s20+$0x0], $0xffff  }
0x16b: {  	v44 =	vmul.f32 v34, v25;
	v63 =	vld.idx.msk [tilespmem:v51+s20+$0x0], $0xffff;
	v28 =	vadd.f32 v38, v28;
	v30 =	vadd.f32 v39, v30  }
0x16c: {  	v51 =	vmul.f32 v36, v25;
	v53 =	vld.idx.msk [tilespmem:v52+s20+$0x0], $0xffff;
	v35 =	vadd.f32 v35, v40;
	v54 =	vmul.f32 v49, v46  }
0x16d: {  	v50 =	vld.idx.msk [tilespmem:v60+s20+$0x0], $0xffff;
	v25 =	vmul.f32 v32, v25;
	v26 =	vadd.f32 v44, v26;
	v56 =	vmul.f32 v62, v46  }
0x16e: {  	v57 =	vld.idx.msk [tilespmem:v61+s20+$0x0], $0xffff;
	v33 =	vadd.f32 v51, v37;
	v59 =	vmul.f32 v45, v46;
	v27 =	vadd.f32 v54, v27  }
0x16f: {  	v25 =	vadd.f32 v25, v31;
	v32 =	vmul.f32 v55, v46;
	v28 =	vadd.f32 v56, v28  }
0x170: {  	v58 =	vmul.f32 v63, v46;
	v26 =	vadd.f32 v59, v26;
	v27 =	vsub.f32 $0.0e+00, v27  }
0x171: {  	v61 =	vmul.f32 v53, v46;
	v25 =	vadd.f32 v32, v25;
	v28 =	vsub.f32 $0.0e+00, v28  }
0x172: {  	v60 =	vmul.f32 v50, v46;
	v30 =	vadd.f32 v58, v30;
	v26 =	vsub.f32 $0.0e+00, v26;
	[tilespmem:s28+$0x11A00] =	vst v27  }
0x173: {  	s26 =	sadd.s32 $0x1, s26;
	v62 =	vmul.f32 v57, v46;
	v31 =	vadd.f32 v61, v33;
	v25 =	vsub.f32 $0.0e+00, v25;
	[tilespmem:s28+$0x11C00] =	vst v28  }
0x174: {  	p0 =	sne.s32 s26, $0x10;
	v34 =	vadd.f32 v60, v35;
	v27 =	vsub.f32 $0.0e+00, v30;
	[tilespmem:s28+$0x12000] =	vst v26  }
.Ltmp6:
0x175: {  	v63 =	vadd.f32 v62, v29;
	v26 =	vsub.f32 $0.0e+00, v31;
	[tilespmem:s28+$0x12600] =	vst v25;
	(pc) =	sbr.rel @p0 .LBB2_2-.Ltmp6, $4  }
0x176: {  	[tilespmem:s28+$0x11E00] =	vst v27;
	v27 =	vsub.f32 $0.0e+00, v34  }
0x177: {  	[tilespmem:s28+$0x12400] =	vst v26;
	v26 =	vsub.f32 $0.0e+00, v63  }
0x178: {  	[tilespmem:s28+$0x12200] =	vst v27  }
0x179: {  	[tilespmem:s28+$0x12800] =	vst v26  }
0x17a: {  	s25 =	sadd.s32 $0x1, s25  }
0x17b: {  	p0 =	sne.s32 s25, s8  }
.Ltmp7:
0x17c: {  	_ = 	snop;
	(pc) =	sbr.rel @p0 .LBB2_1-.Ltmp7, $4  }
0x17d: {  	[hbm4b:s7+s10] =	stream.strided.scatter [tilespmem:s24], [sflag:$0x3], $0x3000, s23, s10, $0x38;
	[tilespmem:$0x12A00] =	vst v63  }
0x17e: {  	_ =	swait.ge [sflag:s9], $0x3000  }
0x17f: {  	[sflag:s9] =	ssyncset.done $0x0  }
0x180: {  	[sflag:s9] =	ssyncadd.s32 $0xFFFFD000  }
0x181: {  	_ =	sfence.sel $0x180000  }
0x182: {  	[bflag:$0x0] =	sbarrier.arrive $0xFFFF  }
0x183: {  	_ =	strace $0x90000047  }
0x184: {  	s0 =	stileid.u32;
	[bflag:$0x2] =	sbarrier.arrive $0xFFFF  }
0x185: {  	p0 =	sne.s32 s0, $0x0;
	s0 =	rddreg [dreg:$0x2]  }
0x186: {  	s0 =	sadd.s32 @!p0 $0x100000, s0  }
0x187: {  	[sflag:s0] =	ssyncadd.tile.s32 @!p0 $0x1;
	_ =	shalt  }
.Lfunc_end2:
_tile_overlayer_lowered:
.L_overlay_start_2:
0x188: {  	(tag) =	ssettag $0x2  }
0x189: {  	s0 =	rddreg [dreg:$0x0];
	s2 =	stileid.u32  }
0x18a: {  	s1 =	rddreg [dreg:$0x1];
	p0 =	sne.s32 s2, $0x0  }
0x18b: {  	s3 =	rddreg [dreg:$0x2];
	[bflag:$0x3] =	sbarrier.arrive $0xFFFF;
	s2 =	simm.s32 @!p0 $0x1C03  }
0x18c: {  	[timem:s3], [sflag:s2] =	dma.local @!p0 [hbm:s0], s1  }
0x18d: {  	s0 =	simm.s32 @!p0 $0x3  }
0x18e: {  	_ =	swait.ge @!p0 [sflag:s0], s1  }
0x18f: {  	s1 =	ssub.s32 @!p0 $0x0, s1;
	[sflag:s0] =	ssyncset.done @!p0 $0x0  }
0x190: {  	[sflag:s0] =	ssyncadd.s32 @!p0 s1  }
0x191: {  	[bflag:$0x3] =	sbarrier.arrive $0xFFFF  }
0x192: {  	_ =	shalt  }

</sc_bundles>
